<compile_context>
chip_gen: v7x
topology: tpu7x:2x2x1
jax: 0.10.2.dev20260603
libtpu: 0.0.44.dev20260713+nightly
codegen_flags: <defaults>
</compile_context>

<pallas_src>
import functools

import jax
import jax.numpy as jnp
from jax import lax
from jax.experimental import pallas as pl
from jax.experimental.pallas import tpu as pltpu
from jax.experimental.pallas import tpu_sc as plsc

_VOCAB = 1000000
_D = 32
_B = 16384

_NC = 2
_NS = 16
_NW = _NC * _NS
_BPW = _B // _NW
_GCHUNK = 128
_NG = _BPW // _GCHUNK
_L = 16


def _body(x_hbm, w_hbm, out_hbm, x_v, idx_v, rows_v, sem):
    wid = lax.axis_index("s") * _NC + lax.axis_index("c")
    base = wid * _BPW

    pltpu.sync_copy(x_hbm, x_v)

    def red(i, carry):
        mn, mx = carry
        v = x_v[pl.ds(i * _L, _L)]
        return jnp.minimum(mn, v), jnp.maximum(mx, v)

    v0 = x_v[pl.ds(0, _L)]
    mn_v, mx_v = lax.fori_loop(1, _B // _L, red, (v0, v0))

    min_val = mn_v[0]
    max_val = mx_v[0]
    for i in range(1, _L):
        min_val = jnp.minimum(min_val, mn_v[i])
        max_val = jnp.maximum(max_val, mx_v[i])

    denom = (max_val - min_val).astype(jnp.float32)
    max_int = jnp.float32(_B - 1)

    for j in range(_NG):
        for k in range(_GCHUNK // _L):
            off = j * _GCHUNK + k * _L
            xv = x_v[pl.ds(base + off, _L)]
            d = (xv - min_val).astype(jnp.float32)
            idx = ((d / denom) * max_int).astype(jnp.int32)
            idx_v[j, pl.ds(k * _L, _L)] = idx

    copies = [
        pltpu.async_copy(
            w_hbm.at[idx_v.at[j]],
            rows_v.at[pl.ds(j * _GCHUNK, _GCHUNK)],
            sem,
        )
        for j in range(_NG)
    ]
    for c in copies:
        c.wait()

    pltpu.sync_copy(rows_v, out_hbm.at[pl.ds(base, _BPW)])


@jax.jit
def _embed(x, w):
    mesh = plsc.VectorSubcoreMesh(core_axis_name="c", subcore_axis_name="s")
    f = functools.partial(
        pl.kernel,
        out_type=jax.ShapeDtypeStruct((_B, _D), jnp.float32),
        mesh=mesh,
        compiler_params=pltpu.CompilerParams(use_tc_tiling_on_sc=False),
        scratch_types=[
            pltpu.VMEM((_B,), jnp.int32),
            pltpu.VMEM((_NG, _GCHUNK), jnp.int32),
            pltpu.VMEM((_BPW, _D), jnp.float32),
            pltpu.SemaphoreType.DMA,
        ],
    )(_body)
    return f(x, w)


def kernel(x, W):
    return _embed(x, W)

# --- scband reference (transcript-rebuilt; emitter-appended) ---
"""Pipeline reference for scband-embedding-31147102830897 (READ-ONLY COPY).

The authoritative reference and input builder live on the scoring server;
editing this copy changes nothing except your own understanding.
"""

import jax, jax.numpy as jnp
import numpy as np

VOCAB_SIZE = 1000000
EMBED_DIM = 32
BATCH = 16384


def setup_inputs(seed: int = 0) -> dict:
    key = jax.random.key(seed)
    k_x, k_w = jax.random.split(key)
    x = jax.random.randint(k_x, (BATCH,), 0, VOCAB_SIZE, dtype=jnp.int32)
    # nn.Embedding default init: N(0, 1)
    W = jax.random.normal(k_w, (VOCAB_SIZE, EMBED_DIM), dtype=jnp.float32)
    return {"x": x, "W": W}


def reference(x, W):
    # Faithful translation of the torch forward:
    # min/max normalization of x onto [0, len(x)-1], truncate to int, then embed.
    min_val = jnp.min(x)
    max_val = jnp.max(x)
    max_int = x.shape[0] - 1
    normalized_array = (x - min_val) / (max_val - min_val) * max_int
    idx = normalized_array.astype(jnp.int32)
    out = jnp.take(W, idx, axis=0)
    return out

if __name__ == "__main__":
    import jax
    _d = setup_inputs()
    print(jax.jit(kernel)(*tuple(_d.values())))

</pallas_src>

<mosaic_0001>
#map = affine_map<(d0, d1) -> (0)>
#map1 = affine_map<(d0, d1) -> (0, 0)>
module attributes {stable_mosaic.version = 14 : i64} {
  func.func @_body(%arg0: i32, %arg1: i32, %arg2: memref<16384xi32, #tpu.memory_space<hbm>>, %arg3: memref<1000000x32xf32, #tpu.memory_space<hbm>>, %arg4: memref<16384x32xf32, #tpu.memory_space<hbm>>, %arg5: memref<16384xi32, #tpu.memory_space<vmem>>, %arg6: memref<4x128xi32, #tpu.memory_space<vmem>>, %arg7: memref<512x32xf32, #tpu.memory_space<vmem>>, %arg8: memref<!tpu.dma_semaphore, #tpu.memory_space<semaphore_mem>>) attributes {dimension_semantics = [#tpu.dimension_semantics<core_parallel>, #tpu.dimension_semantics<subcore_parallel>], iteration_bounds = array<i64: 2, 16>, scalar_prefetch = 0 : i64, scratch_operands = 4 : i64, tpu.core_type = #tpu.core_type<sc_vector_subcore>, window_params = [{transform_indices = #map}, {transform_indices = #map1}, {transform_indices = #map1}]} {
    %mul3A = arith.constant 2 : i32
    %mul3A_0 = arith.muli %arg1, %mul3A : i32
    %add3A = arith.addi %mul3A_0, %arg0 : i32
    %mul3A_1 = arith.constant 512 : i32
    %mul3A_2 = arith.muli %add3A, %mul3A_1 : i32
    "tpu.region"() ({
      %run_scoped3A = tpu.sem_alloc : memref<!tpu.dma_semaphore, #tpu.memory_space<semaphore_mem>>
      tpu.enqueue_dma source(%arg2 : memref<16384xi32, #tpu.memory_space<hbm>>) target(%arg5 : memref<16384xi32, #tpu.memory_space<vmem>>) target_semaphore(%run_scoped3A : memref<!tpu.dma_semaphore, #tpu.memory_space<semaphore_mem>>)
      tpu.wait_dma2 semaphore(%run_scoped3A : memref<!tpu.dma_semaphore, #tpu.memory_space<semaphore_mem>>) src(%arg2 : memref<16384xi32, #tpu.memory_space<hbm>>) dst(%arg5 : memref<16384xi32, #tpu.memory_space<vmem>>)
      tpu.yield
    }) : () -> ()
    %get3A = arith.constant 0 : index
    %get3A_3 = tpu.vector_load %arg5[%get3A] {strides = array<i32>} : memref<16384xi32, #tpu.memory_space<vmem>>, vector<16xi32>,
    %get3A_4 = vector.shape_cast %get3A_3 : vector<16xi32> to vector<16xi32>
    %scan3A = arith.constant 1 : i32
    %scan3A_5 = arith.constant 1023 : i32
    %scan3A_6 = arith.addi %scan3A, %scan3A_5 : i32
    %scan3A_7 = arith.constant 1 : i32
    %scan3A_8:2 = scf.for %scan3A_816 = %scan3A to %scan3A_6 step %scan3A_7 iter_args(%scan3A_817 = %get3A_4, %scan3A_818 = %get3A_4) -> (vector<16xi32>, vector<16xi32>)  : i32 {
      %mul3A_819 = arith.constant 16 : i32
      %mul3A_820 = arith.muli %scan3A_816, %mul3A_819 : i32
      %get3A_821 = arith.index_cast %mul3A_820 : i32 to index
      %get3A_822 = tpu.vector_load %arg5[%get3A_821] {strides = array<i32>} : memref<16384xi32, #tpu.memory_space<vmem>>, vector<16xi32>,
      %get3A_823 = vector.shape_cast %get3A_822 : vector<16xi32> to vector<16xi32>
      %min3A_824 = arith.minsi %scan3A_817, %get3A_823 : vector<16xi32>
      %max3A_825 = arith.maxsi %scan3A_818, %get3A_823 : vector<16xi32>
      scf.yield %min3A_824, %max3A_825 : vector<16xi32>, vector<16xi32>
    }
    %scan3A_9 = arith.constant 1023 : i32
    %slice3A = vector.extract_strided_slice %scan3A_8#0 {offsets = [0], sizes = [1], strides = [1]} : vector<16xi32> to vector<1xi32>
    %squeeze3A = vector.extract %slice3A[0] : i32 from vector<1xi32>
    %slice3A_10 = vector.extract_strided_slice %scan3A_8#1 {offsets = [0], sizes = [1], strides = [1]} : vector<16xi32> to vector<1xi32>
    %squeeze3A_11 = vector.extract %slice3A_10[0] : i32 from vector<1xi32>
    %slice3A_12 = vector.extract_strided_slice %scan3A_8#0 {offsets = [1], sizes = [1], strides = [1]} : vector<16xi32> to vector<1xi32>
    %squeeze3A_13 = vector.extract %slice3A_12[0] : i32 from vector<1xi32>
    %min3A = arith.minsi %squeeze3A, %squeeze3A_13 : i32
    %slice3A_14 = vector.extract_strided_slice %scan3A_8#1 {offsets = [1], sizes = [1], strides = [1]} : vector<16xi32> to vector<1xi32>
    %squeeze3A_15 = vector.extract %slice3A_14[0] : i32 from vector<1xi32>
    %max3A = arith.maxsi %squeeze3A_11, %squeeze3A_15 : i32
    %slice3A_16 = vector.extract_strided_slice %scan3A_8#0 {offsets = [2], sizes = [1], strides = [1]} : vector<16xi32> to vector<1xi32>
    %squeeze3A_17 = vector.extract %slice3A_16[0] : i32 from vector<1xi32>
    %min3A_18 = arith.minsi %min3A, %squeeze3A_17 : i32
    %slice3A_19 = vector.extract_strided_slice %scan3A_8#1 {offsets = [2], sizes = [1], strides = [1]} : vector<16xi32> to vector<1xi32>
    %squeeze3A_20 = vector.extract %slice3A_19[0] : i32 from vector<1xi32>
    %max3A_21 = arith.maxsi %max3A, %squeeze3A_20 : i32
    %slice3A_22 = vector.extract_strided_slice %scan3A_8#0 {offsets = [3], sizes = [1], strides = [1]} : vector<16xi32> to vector<1xi32>
    %squeeze3A_23 = vector.extract %slice3A_22[0] : i32 from vector<1xi32>
    %min3A_24 = arith.minsi %min3A_18, %squeeze3A_23 : i32
    %slice3A_25 = vector.extract_strided_slice %scan3A_8#1 {offsets = [3], sizes = [1], strides = [1]} : vector<16xi32> to vector<1xi32>
    %squeeze3A_26 = vector.extract %slice3A_25[0] : i32 from vector<1xi32>
    %max3A_27 = arith.maxsi %max3A_21, %squeeze3A_26 : i32
    %slice3A_28 = vector.extract_strided_slice %scan3A_8#0 {offsets = [4], sizes = [1], strides = [1]} : vector<16xi32> to vector<1xi32>
    %squeeze3A_29 = vector.extract %slice3A_28[0] : i32 from vector<1xi32>
    %min3A_30 = arith.minsi %min3A_24, %squeeze3A_29 : i32
    %slice3A_31 = vector.extract_strided_slice %scan3A_8#1 {offsets = [4], sizes = [1], strides = [1]} : vector<16xi32> to vector<1xi32>
    %squeeze3A_32 = vector.extract %slice3A_31[0] : i32 from vector<1xi32>
    %max3A_33 = arith.maxsi %max3A_27, %squeeze3A_32 : i32
    %slice3A_34 = vector.extract_strided_slice %scan3A_8#0 {offsets = [5], sizes = [1], strides = [1]} : vector<16xi32> to vector<1xi32>
    %squeeze3A_35 = vector.extract %slice3A_34[0] : i32 from vector<1xi32>
    %min3A_36 = arith.minsi %min3A_30, %squeeze3A_35 : i32
    %slice3A_37 = vector.extract_strided_slice %scan3A_8#1 {offsets = [5], sizes = [1], strides = [1]} : vector<16xi32> to vector<1xi32>
    %squeeze3A_38 = vector.extract %slice3A_37[0] : i32 from vector<1xi32>
    %max3A_39 = arith.maxsi %max3A_33, %squeeze3A_38 : i32
    %slice3A_40 = vector.extract_strided_slice %scan3A_8#0 {offsets = [6], sizes = [1], strides = [1]} : vector<16xi32> to vector<1xi32>
    %squeeze3A_41 = vector.extract %slice3A_40[0] : i32 from vector<1xi32>
    %min3A_42 = arith.minsi %min3A_36, %squeeze3A_41 : i32
    %slice3A_43 = vector.extract_strided_slice %scan3A_8#1 {offsets = [6], sizes = [1], strides = [1]} : vector<16xi32> to vector<1xi32>
    %squeeze3A_44 = vector.extract %slice3A_43[0] : i32 from vector<1xi32>
    %max3A_45 = arith.maxsi %max3A_39, %squeeze3A_44 : i32
    %slice3A_46 = vector.extract_strided_slice %scan3A_8#0 {offsets = [7], sizes = [1], strides = [1]} : vector<16xi32> to vector<1xi32>
    %squeeze3A_47 = vector.extract %slice3A_46[0] : i32 from vector<1xi32>
    %min3A_48 = arith.minsi %min3A_42, %squeeze3A_47 : i32
    %slice3A_49 = vector.extract_strided_slice %scan3A_8#1 {offsets = [7], sizes = [1], strides = [1]} : vector<16xi32> to vector<1xi32>
    %squeeze3A_50 = vector.extract %slice3A_49[0] : i32 from vector<1xi32>
    %max3A_51 = arith.maxsi %max3A_45, %squeeze3A_50 : i32
    %slice3A_52 = vector.extract_strided_slice %scan3A_8#0 {offsets = [8], sizes = [1], strides = [1]} : vector<16xi32> to vector<1xi32>
    %squeeze3A_53 = vector.extract %slice3A_52[0] : i32 from vector<1xi32>
    %min3A_54 = arith.minsi %min3A_48, %squeeze3A_53 : i32
    %slice3A_55 = vector.extract_strided_slice %scan3A_8#1 {offsets = [8], sizes = [1], strides = [1]} : vector<16xi32> to vector<1xi32>
    %squeeze3A_56 = vector.extract %slice3A_55[0] : i32 from vector<1xi32>
    %max3A_57 = arith.maxsi %max3A_51, %squeeze3A_56 : i32
    %slice3A_58 = vector.extract_strided_slice %scan3A_8#0 {offsets = [9], sizes = [1], strides = [1]} : vector<16xi32> to vector<1xi32>
    %squeeze3A_59 = vector.extract %slice3A_58[0] : i32 from vector<1xi32>
    %min3A_60 = arith.minsi %min3A_54, %squeeze3A_59 : i32
    %slice3A_61 = vector.extract_strided_slice %scan3A_8#1 {offsets = [9], sizes = [1], strides = [1]} : vector<16xi32> to vector<1xi32>
    %squeeze3A_62 = vector.extract %slice3A_61[0] : i32 from vector<1xi32>
    %max3A_63 = arith.maxsi %max3A_57, %squeeze3A_62 : i32
    %slice3A_64 = vector.extract_strided_slice %scan3A_8#0 {offsets = [10], sizes = [1], strides = [1]} : vector<16xi32> to vector<1xi32>
    %squeeze3A_65 = vector.extract %slice3A_64[0] : i32 from vector<1xi32>
    %min3A_66 = arith.minsi %min3A_60, %squeeze3A_65 : i32
    %slice3A_67 = vector.extract_strided_slice %scan3A_8#1 {offsets = [10], sizes = [1], strides = [1]} : vector<16xi32> to vector<1xi32>
    %squeeze3A_68 = vector.extract %slice3A_67[0] : i32 from vector<1xi32>
    %max3A_69 = arith.maxsi %max3A_63, %squeeze3A_68 : i32
    %slice3A_70 = vector.extract_strided_slice %scan3A_8#0 {offsets = [11], sizes = [1], strides = [1]} : vector<16xi32> to vector<1xi32>
    %squeeze3A_71 = vector.extract %slice3A_70[0] : i32 from vector<1xi32>
    %min3A_72 = arith.minsi %min3A_66, %squeeze3A_71 : i32
    %slice3A_73 = vector.extract_strided_slice %scan3A_8#1 {offsets = [11], sizes = [1], strides = [1]} : vector<16xi32> to vector<1xi32>
    %squeeze3A_74 = vector.extract %slice3A_73[0] : i32 from vector<1xi32>
    %max3A_75 = arith.maxsi %max3A_69, %squeeze3A_74 : i32
    %slice3A_76 = vector.extract_strided_slice %scan3A_8#0 {offsets = [12], sizes = [1], strides = [1]} : vector<16xi32> to vector<1xi32>
    %squeeze3A_77 = vector.extract %slice3A_76[0] : i32 from vector<1xi32>
    %min3A_78 = arith.minsi %min3A_72, %squeeze3A_77 : i32
    %slice3A_79 = vector.extract_strided_slice %scan3A_8#1 {offsets = [12], sizes = [1], strides = [1]} : vector<16xi32> to vector<1xi32>
    %squeeze3A_80 = vector.extract %slice3A_79[0] : i32 from vector<1xi32>
    %max3A_81 = arith.maxsi %max3A_75, %squeeze3A_80 : i32
    %slice3A_82 = vector.extract_strided_slice %scan3A_8#0 {offsets = [13], sizes = [1], strides = [1]} : vector<16xi32> to vector<1xi32>
    %squeeze3A_83 = vector.extract %slice3A_82[0] : i32 from vector<1xi32>
    %min3A_84 = arith.minsi %min3A_78, %squeeze3A_83 : i32
    %slice3A_85 = vector.extract_strided_slice %scan3A_8#1 {offsets = [13], sizes = [1], strides = [1]} : vector<16xi32> to vector<1xi32>
    %squeeze3A_86 = vector.extract %slice3A_85[0] : i32 from vector<1xi32>
    %max3A_87 = arith.maxsi %max3A_81, %squeeze3A_86 : i32
    %slice3A_88 = vector.extract_strided_slice %scan3A_8#0 {offsets = [14], sizes = [1], strides = [1]} : vector<16xi32> to vector<1xi32>
    %squeeze3A_89 = vector.extract %slice3A_88[0] : i32 from vector<1xi32>
    %min3A_90 = arith.minsi %min3A_84, %squeeze3A_89 : i32
    %slice3A_91 = vector.extract_strided_slice %scan3A_8#1 {offsets = [14], sizes = [1], strides = [1]} : vector<16xi32> to vector<1xi32>
    %squeeze3A_92 = vector.extract %slice3A_91[0] : i32 from vector<1xi32>
    %max3A_93 = arith.maxsi %max3A_87, %squeeze3A_92 : i32
    %slice3A_94 = vector.extract_strided_slice %scan3A_8#0 {offsets = [15], sizes = [1], strides = [1]} : vector<16xi32> to vector<1xi32>
    %squeeze3A_95 = vector.extract %slice3A_94[0] : i32 from vector<1xi32>
    %min3A_96 = arith.minsi %min3A_90, %squeeze3A_95 : i32
    %slice3A_97 = vector.extract_strided_slice %scan3A_8#1 {offsets = [15], sizes = [1], strides = [1]} : vector<16xi32> to vector<1xi32>
    %squeeze3A_98 = vector.extract %slice3A_97[0] : i32 from vector<1xi32>
    %max3A_99 = arith.maxsi %max3A_93, %squeeze3A_98 : i32
    %sub3A = arith.subi %max3A_99, %min3A_96 : i32
    %convert_element_type3A = arith.sitofp %sub3A : i32 to f32
    %add3A_100 = arith.constant 0 : i32
    %add3A_101 = arith.addi %mul3A_2, %add3A_100 : i32
    %get3A_102 = arith.index_cast %add3A_101 : i32 to index
    %get3A_103 = tpu.vector_load %arg5[%get3A_102] {strides = array<i32>} : memref<16384xi32, #tpu.memory_space<vmem>>, vector<16xi32>,
    %get3A_104 = vector.shape_cast %get3A_103 : vector<16xi32> to vector<16xi32>
    %sub3A_105 = vector.broadcast %min3A_96 : i32 to vector<16xi32>
    %sub3A_106 = arith.subi %get3A_104, %sub3A_105 : vector<16xi32>
    %convert_element_type3A_107 = arith.sitofp %sub3A_106 : vector<16xi32> to vector<16xf32>
    %div3A = vector.broadcast %convert_element_type3A : f32 to vector<16xf32>
    %div3A_108 = arith.divf %convert_element_type3A_107, %div3A : vector<16xf32>
    %mul3A_109 = arith.constant 1.638300e+04 : f32
    %mul3A_110 = vector.broadcast %mul3A_109 : f32 to vector<16xf32>
    %mul3A_111 = arith.mulf %div3A_108, %mul3A_110 : vector<16xf32>
    %convert_element_type3A_112 = arith.fptosi %mul3A_111 : vector<16xf32> to vector<16xi32>
    %swap3A = arith.constant 0 : i32
    %swap3A_113 = arith.index_cast %swap3A : i32 to index
    %swap3A_114 = arith.constant 0 : index
    %swap3A_115 = tpu.vector_load %arg6[%swap3A_113, %swap3A_114] {strides = array<i32>} : memref<4x128xi32, #tpu.memory_space<vmem>>, vector<1x16xi32>,
    %swap3A_116 = vector.shape_cast %swap3A_115 : vector<1x16xi32> to vector<16xi32>
    %swap3A_117 = vector.shape_cast %convert_element_type3A_112 : vector<16xi32> to vector<1x16xi32>
    tpu.vector_store %arg6[%swap3A_113, %swap3A_114], %swap3A_117 {strides = array<i32>} : memref<4x128xi32, #tpu.memory_space<vmem>>, vector<1x16xi32>,
    %add3A_118 = arith.constant 16 : i32
    %add3A_119 = arith.addi %mul3A_2, %add3A_118 : i32
    %get3A_120 = arith.index_cast %add3A_119 : i32 to index
    %get3A_121 = tpu.vector_load %arg5[%get3A_120] {strides = array<i32>} : memref<16384xi32, #tpu.memory_space<vmem>>, vector<16xi32>,
    %get3A_122 = vector.shape_cast %get3A_121 : vector<16xi32> to vector<16xi32>
    %sub3A_123 = vector.broadcast %min3A_96 : i32 to vector<16xi32>
    %sub3A_124 = arith.subi %get3A_122, %sub3A_123 : vector<16xi32>
    %convert_element_type3A_125 = arith.sitofp %sub3A_124 : vector<16xi32> to vector<16xf32>
    %div3A_126 = vector.broadcast %convert_element_type3A : f32 to vector<16xf32>
    %div3A_127 = arith.divf %convert_element_type3A_125, %div3A_126 : vector<16xf32>
    %mul3A_128 = arith.constant 1.638300e+04 : f32
    %mul3A_129 = vector.broadcast %mul3A_128 : f32 to vector<16xf32>
    %mul3A_130 = arith.mulf %div3A_127, %mul3A_129 : vector<16xf32>
    %convert_element_type3A_131 = arith.fptosi %mul3A_130 : vector<16xf32> to vector<16xi32>
    %swap3A_132 = arith.constant 0 : i32
    %swap3A_133 = arith.index_cast %swap3A_132 : i32 to index
    %swap3A_134 = arith.constant 16 : index
    %swap3A_135 = tpu.vector_load %arg6[%swap3A_133, %swap3A_134] {strides = array<i32>} : memref<4x128xi32, #tpu.memory_space<vmem>>, vector<1x16xi32>,
    %swap3A_136 = vector.shape_cast %swap3A_135 : vector<1x16xi32> to vector<16xi32>
    %swap3A_137 = vector.shape_cast %convert_element_type3A_131 : vector<16xi32> to vector<1x16xi32>
    tpu.vector_store %arg6[%swap3A_133, %swap3A_134], %swap3A_137 {strides = array<i32>} : memref<4x128xi32, #tpu.memory_space<vmem>>, vector<1x16xi32>,
    %add3A_138 = arith.constant 32 : i32
    %add3A_139 = arith.addi %mul3A_2, %add3A_138 : i32
    %get3A_140 = arith.index_cast %add3A_139 : i32 to index
    %get3A_141 = tpu.vector_load %arg5[%get3A_140] {strides = array<i32>} : memref<16384xi32, #tpu.memory_space<vmem>>, vector<16xi32>,
    %get3A_142 = vector.shape_cast %get3A_141 : vector<16xi32> to vector<16xi32>
    %sub3A_143 = vector.broadcast %min3A_96 : i32 to vector<16xi32>
    %sub3A_144 = arith.subi %get3A_142, %sub3A_143 : vector<16xi32>
    %convert_element_type3A_145 = arith.sitofp %sub3A_144 : vector<16xi32> to vector<16xf32>
    %div3A_146 = vector.broadcast %convert_element_type3A : f32 to vector<16xf32>
    %div3A_147 = arith.divf %convert_element_type3A_145, %div3A_146 : vector<16xf32>
    %mul3A_148 = arith.constant 1.638300e+04 : f32
    %mul3A_149 = vector.broadcast %mul3A_148 : f32 to vector<16xf32>
    %mul3A_150 = arith.mulf %div3A_147, %mul3A_149 : vector<16xf32>
    %convert_element_type3A_151 = arith.fptosi %mul3A_150 : vector<16xf32> to vector<16xi32>
    %swap3A_152 = arith.constant 0 : i32
    %swap3A_153 = arith.index_cast %swap3A_152 : i32 to index
    %swap3A_154 = arith.constant 32 : index
    %swap3A_155 = tpu.vector_load %arg6[%swap3A_153, %swap3A_154] {strides = array<i32>} : memref<4x128xi32, #tpu.memory_space<vmem>>, vector<1x16xi32>,
    %swap3A_156 = vector.shape_cast %swap3A_155 : vector<1x16xi32> to vector<16xi32>
    %swap3A_157 = vector.shape_cast %convert_element_type3A_151 : vector<16xi32> to vector<1x16xi32>
    tpu.vector_store %arg6[%swap3A_153, %swap3A_154], %swap3A_157 {strides = array<i32>} : memref<4x128xi32, #tpu.memory_space<vmem>>, vector<1x16xi32>,
    %add3A_158 = arith.constant 48 : i32
    %add3A_159 = arith.addi %mul3A_2, %add3A_158 : i32
    %get3A_160 = arith.index_cast %add3A_159 : i32 to index
    %get3A_161 = tpu.vector_load %arg5[%get3A_160] {strides = array<i32>} : memref<16384xi32, #tpu.memory_space<vmem>>, vector<16xi32>,
    %get3A_162 = vector.shape_cast %get3A_161 : vector<16xi32> to vector<16xi32>
    %sub3A_163 = vector.broadcast %min3A_96 : i32 to vector<16xi32>
    %sub3A_164 = arith.subi %get3A_162, %sub3A_163 : vector<16xi32>
    %convert_element_type3A_165 = arith.sitofp %sub3A_164 : vector<16xi32> to vector<16xf32>
    %div3A_166 = vector.broadcast %convert_element_type3A : f32 to vector<16xf32>
    %div3A_167 = arith.divf %convert_element_type3A_165, %div3A_166 : vector<16xf32>
    %mul3A_168 = arith.constant 1.638300e+04 : f32
    %mul3A_169 = vector.broadcast %mul3A_168 : f32 to vector<16xf32>
    %mul3A_170 = arith.mulf %div3A_167, %mul3A_169 : vector<16xf32>
    %convert_element_type3A_171 = arith.fptosi %mul3A_170 : vector<16xf32> to vector<16xi32>
    %swap3A_172 = arith.constant 0 : i32
    %swap3A_173 = arith.index_cast %swap3A_172 : i32 to index
    %swap3A_174 = arith.constant 48 : index
    %swap3A_175 = tpu.vector_load %arg6[%swap3A_173, %swap3A_174] {strides = array<i32>} : memref<4x128xi32, #tpu.memory_space<vmem>>, vector<1x16xi32>,
    %swap3A_176 = vector.shape_cast %swap3A_175 : vector<1x16xi32> to vector<16xi32>
    %swap3A_177 = vector.shape_cast %convert_element_type3A_171 : vector<16xi32> to vector<1x16xi32>
    tpu.vector_store %arg6[%swap3A_173, %swap3A_174], %swap3A_177 {strides = array<i32>} : memref<4x128xi32, #tpu.memory_space<vmem>>, vector<1x16xi32>,
    %add3A_178 = arith.constant 64 : i32
    %add3A_179 = arith.addi %mul3A_2, %add3A_178 : i32
    %get3A_180 = arith.index_cast %add3A_179 : i32 to index
    %get3A_181 = tpu.vector_load %arg5[%get3A_180] {strides = array<i32>} : memref<16384xi32, #tpu.memory_space<vmem>>, vector<16xi32>,
    %get3A_182 = vector.shape_cast %get3A_181 : vector<16xi32> to vector<16xi32>
    %sub3A_183 = vector.broadcast %min3A_96 : i32 to vector<16xi32>
    %sub3A_184 = arith.subi %get3A_182, %sub3A_183 : vector<16xi32>
    %convert_element_type3A_185 = arith.sitofp %sub3A_184 : vector<16xi32> to vector<16xf32>
    %div3A_186 = vector.broadcast %convert_element_type3A : f32 to vector<16xf32>
    %div3A_187 = arith.divf %convert_element_type3A_185, %div3A_186 : vector<16xf32>
    %mul3A_188 = arith.constant 1.638300e+04 : f32
    %mul3A_189 = vector.broadcast %mul3A_188 : f32 to vector<16xf32>
    %mul3A_190 = arith.mulf %div3A_187, %mul3A_189 : vector<16xf32>
    %convert_element_type3A_191 = arith.fptosi %mul3A_190 : vector<16xf32> to vector<16xi32>
    %swap3A_192 = arith.constant 0 : i32
    %swap3A_193 = arith.index_cast %swap3A_192 : i32 to index
    %swap3A_194 = arith.constant 64 : index
    %swap3A_195 = tpu.vector_load %arg6[%swap3A_193, %swap3A_194] {strides = array<i32>} : memref<4x128xi32, #tpu.memory_space<vmem>>, vector<1x16xi32>,
    %swap3A_196 = vector.shape_cast %swap3A_195 : vector<1x16xi32> to vector<16xi32>
    %swap3A_197 = vector.shape_cast %convert_element_type3A_191 : vector<16xi32> to vector<1x16xi32>
    tpu.vector_store %arg6[%swap3A_193, %swap3A_194], %swap3A_197 {strides = array<i32>} : memref<4x128xi32, #tpu.memory_space<vmem>>, vector<1x16xi32>,
    %add3A_198 = arith.constant 80 : i32
    %add3A_199 = arith.addi %mul3A_2, %add3A_198 : i32
    %get3A_200 = arith.index_cast %add3A_199 : i32 to index
    %get3A_201 = tpu.vector_load %arg5[%get3A_200] {strides = array<i32>} : memref<16384xi32, #tpu.memory_space<vmem>>, vector<16xi32>,
    %get3A_202 = vector.shape_cast %get3A_201 : vector<16xi32> to vector<16xi32>
    %sub3A_203 = vector.broadcast %min3A_96 : i32 to vector<16xi32>
    %sub3A_204 = arith.subi %get3A_202, %sub3A_203 : vector<16xi32>
    %convert_element_type3A_205 = arith.sitofp %sub3A_204 : vector<16xi32> to vector<16xf32>
    %div3A_206 = vector.broadcast %convert_element_type3A : f32 to vector<16xf32>
    %div3A_207 = arith.divf %convert_element_type3A_205, %div3A_206 : vector<16xf32>
    %mul3A_208 = arith.constant 1.638300e+04 : f32
    %mul3A_209 = vector.broadcast %mul3A_208 : f32 to vector<16xf32>
    %mul3A_210 = arith.mulf %div3A_207, %mul3A_209 : vector<16xf32>
    %convert_element_type3A_211 = arith.fptosi %mul3A_210 : vector<16xf32> to vector<16xi32>
    %swap3A_212 = arith.constant 0 : i32
    %swap3A_213 = arith.index_cast %swap3A_212 : i32 to index
    %swap3A_214 = arith.constant 80 : index
    %swap3A_215 = tpu.vector_load %arg6[%swap3A_213, %swap3A_214] {strides = array<i32>} : memref<4x128xi32, #tpu.memory_space<vmem>>, vector<1x16xi32>,
    %swap3A_216 = vector.shape_cast %swap3A_215 : vector<1x16xi32> to vector<16xi32>
    %swap3A_217 = vector.shape_cast %convert_element_type3A_211 : vector<16xi32> to vector<1x16xi32>
    tpu.vector_store %arg6[%swap3A_213, %swap3A_214], %swap3A_217 {strides = array<i32>} : memref<4x128xi32, #tpu.memory_space<vmem>>, vector<1x16xi32>,
    %add3A_218 = arith.constant 96 : i32
    %add3A_219 = arith.addi %mul3A_2, %add3A_218 : i32
    %get3A_220 = arith.index_cast %add3A_219 : i32 to index
    %get3A_221 = tpu.vector_load %arg5[%get3A_220] {strides = array<i32>} : memref<16384xi32, #tpu.memory_space<vmem>>, vector<16xi32>,
    %get3A_222 = vector.shape_cast %get3A_221 : vector<16xi32> to vector<16xi32>
    %sub3A_223 = vector.broadcast %min3A_96 : i32 to vector<16xi32>
    %sub3A_224 = arith.subi %get3A_222, %sub3A_223 : vector<16xi32>
    %convert_element_type3A_225 = arith.sitofp %sub3A_224 : vector<16xi32> to vector<16xf32>
    %div3A_226 = vector.broadcast %convert_element_type3A : f32 to vector<16xf32>
    %div3A_227 = arith.divf %convert_element_type3A_225, %div3A_226 : vector<16xf32>
    %mul3A_228 = arith.constant 1.638300e+04 : f32
    %mul3A_229 = vector.broadcast %mul3A_228 : f32 to vector<16xf32>
    %mul3A_230 = arith.mulf %div3A_227, %mul3A_229 : vector<16xf32>
    %convert_element_type3A_231 = arith.fptosi %mul3A_230 : vector<16xf32> to vector<16xi32>
    %swap3A_232 = arith.constant 0 : i32
    %swap3A_233 = arith.index_cast %swap3A_232 : i32 to index
    %swap3A_234 = arith.constant 96 : index
    %swap3A_235 = tpu.vector_load %arg6[%swap3A_233, %swap3A_234] {strides = array<i32>} : memref<4x128xi32, #tpu.memory_space<vmem>>, vector<1x16xi32>,
    %swap3A_236 = vector.shape_cast %swap3A_235 : vector<1x16xi32> to vector<16xi32>
    %swap3A_237 = vector.shape_cast %convert_element_type3A_231 : vector<16xi32> to vector<1x16xi32>
    tpu.vector_store %arg6[%swap3A_233, %swap3A_234], %swap3A_237 {strides = array<i32>} : memref<4x128xi32, #tpu.memory_space<vmem>>, vector<1x16xi32>,
    %add3A_238 = arith.constant 112 : i32
    %add3A_239 = arith.addi %mul3A_2, %add3A_238 : i32
    %get3A_240 = arith.index_cast %add3A_239 : i32 to index
    %get3A_241 = tpu.vector_load %arg5[%get3A_240] {strides = array<i32>} : memref<16384xi32, #tpu.memory_space<vmem>>, vector<16xi32>,
    %get3A_242 = vector.shape_cast %get3A_241 : vector<16xi32> to vector<16xi32>
    %sub3A_243 = vector.broadcast %min3A_96 : i32 to vector<16xi32>
    %sub3A_244 = arith.subi %get3A_242, %sub3A_243 : vector<16xi32>
    %convert_element_type3A_245 = arith.sitofp %sub3A_244 : vector<16xi32> to vector<16xf32>
    %div3A_246 = vector.broadcast %convert_element_type3A : f32 to vector<16xf32>
    %div3A_247 = arith.divf %convert_element_type3A_245, %div3A_246 : vector<16xf32>
    %mul3A_248 = arith.constant 1.638300e+04 : f32
    %mul3A_249 = vector.broadcast %mul3A_248 : f32 to vector<16xf32>
    %mul3A_250 = arith.mulf %div3A_247, %mul3A_249 : vector<16xf32>
    %convert_element_type3A_251 = arith.fptosi %mul3A_250 : vector<16xf32> to vector<16xi32>
    %swap3A_252 = arith.constant 0 : i32
    %swap3A_253 = arith.index_cast %swap3A_252 : i32 to index
    %swap3A_254 = arith.constant 112 : index
    %swap3A_255 = tpu.vector_load %arg6[%swap3A_253, %swap3A_254] {strides = array<i32>} : memref<4x128xi32, #tpu.memory_space<vmem>>, vector<1x16xi32>,
    %swap3A_256 = vector.shape_cast %swap3A_255 : vector<1x16xi32> to vector<16xi32>
    %swap3A_257 = vector.shape_cast %convert_element_type3A_251 : vector<16xi32> to vector<1x16xi32>
    tpu.vector_store %arg6[%swap3A_253, %swap3A_254], %swap3A_257 {strides = array<i32>} : memref<4x128xi32, #tpu.memory_space<vmem>>, vector<1x16xi32>,
    %add3A_258 = arith.constant 128 : i32
    %add3A_259 = arith.addi %mul3A_2, %add3A_258 : i32
    %get3A_260 = arith.index_cast %add3A_259 : i32 to index
    %get3A_261 = tpu.vector_load %arg5[%get3A_260] {strides = array<i32>} : memref<16384xi32, #tpu.memory_space<vmem>>, vector<16xi32>,
    %get3A_262 = vector.shape_cast %get3A_261 : vector<16xi32> to vector<16xi32>
    %sub3A_263 = vector.broadcast %min3A_96 : i32 to vector<16xi32>
    %sub3A_264 = arith.subi %get3A_262, %sub3A_263 : vector<16xi32>
    %convert_element_type3A_265 = arith.sitofp %sub3A_264 : vector<16xi32> to vector<16xf32>
    %div3A_266 = vector.broadcast %convert_element_type3A : f32 to vector<16xf32>
    %div3A_267 = arith.divf %convert_element_type3A_265, %div3A_266 : vector<16xf32>
    %mul3A_268 = arith.constant 1.638300e+04 : f32
    %mul3A_269 = vector.broadcast %mul3A_268 : f32 to vector<16xf32>
    %mul3A_270 = arith.mulf %div3A_267, %mul3A_269 : vector<16xf32>
    %convert_element_type3A_271 = arith.fptosi %mul3A_270 : vector<16xf32> to vector<16xi32>
    %swap3A_272 = arith.constant 1 : i32
    %swap3A_273 = arith.index_cast %swap3A_272 : i32 to index
    %swap3A_274 = arith.constant 0 : index
    %swap3A_275 = tpu.vector_load %arg6[%swap3A_273, %swap3A_274] {strides = array<i32>} : memref<4x128xi32, #tpu.memory_space<vmem>>, vector<1x16xi32>,
    %swap3A_276 = vector.shape_cast %swap3A_275 : vector<1x16xi32> to vector<16xi32>
    %swap3A_277 = vector.shape_cast %convert_element_type3A_271 : vector<16xi32> to vector<1x16xi32>
    tpu.vector_store %arg6[%swap3A_273, %swap3A_274], %swap3A_277 {strides = array<i32>} : memref<4x128xi32, #tpu.memory_space<vmem>>, vector<1x16xi32>,
    %add3A_278 = arith.constant 144 : i32
    %add3A_279 = arith.addi %mul3A_2, %add3A_278 : i32
    %get3A_280 = arith.index_cast %add3A_279 : i32 to index
    %get3A_281 = tpu.vector_load %arg5[%get3A_280] {strides = array<i32>} : memref<16384xi32, #tpu.memory_space<vmem>>, vector<16xi32>,
    %get3A_282 = vector.shape_cast %get3A_281 : vector<16xi32> to vector<16xi32>
    %sub3A_283 = vector.broadcast %min3A_96 : i32 to vector<16xi32>
    %sub3A_284 = arith.subi %get3A_282, %sub3A_283 : vector<16xi32>
    %convert_element_type3A_285 = arith.sitofp %sub3A_284 : vector<16xi32> to vector<16xf32>
    %div3A_286 = vector.broadcast %convert_element_type3A : f32 to vector<16xf32>
    %div3A_287 = arith.divf %convert_element_type3A_285, %div3A_286 : vector<16xf32>
    %mul3A_288 = arith.constant 1.638300e+04 : f32
    %mul3A_289 = vector.broadcast %mul3A_288 : f32 to vector<16xf32>
    %mul3A_290 = arith.mulf %div3A_287, %mul3A_289 : vector<16xf32>
    %convert_element_type3A_291 = arith.fptosi %mul3A_290 : vector<16xf32> to vector<16xi32>
    %swap3A_292 = arith.constant 1 : i32
    %swap3A_293 = arith.index_cast %swap3A_292 : i32 to index
    %swap3A_294 = arith.constant 16 : index
    %swap3A_295 = tpu.vector_load %arg6[%swap3A_293, %swap3A_294] {strides = array<i32>} : memref<4x128xi32, #tpu.memory_space<vmem>>, vector<1x16xi32>,
    %swap3A_296 = vector.shape_cast %swap3A_295 : vector<1x16xi32> to vector<16xi32>
    %swap3A_297 = vector.shape_cast %convert_element_type3A_291 : vector<16xi32> to vector<1x16xi32>
    tpu.vector_store %arg6[%swap3A_293, %swap3A_294], %swap3A_297 {strides = array<i32>} : memref<4x128xi32, #tpu.memory_space<vmem>>, vector<1x16xi32>,
    %add3A_298 = arith.constant 160 : i32
    %add3A_299 = arith.addi %mul3A_2, %add3A_298 : i32
    %get3A_300 = arith.index_cast %add3A_299 : i32 to index
    %get3A_301 = tpu.vector_load %arg5[%get3A_300] {strides = array<i32>} : memref<16384xi32, #tpu.memory_space<vmem>>, vector<16xi32>,
    %get3A_302 = vector.shape_cast %get3A_301 : vector<16xi32> to vector<16xi32>
    %sub3A_303 = vector.broadcast %min3A_96 : i32 to vector<16xi32>
    %sub3A_304 = arith.subi %get3A_302, %sub3A_303 : vector<16xi32>
    %convert_element_type3A_305 = arith.sitofp %sub3A_304 : vector<16xi32> to vector<16xf32>
    %div3A_306 = vector.broadcast %convert_element_type3A : f32 to vector<16xf32>
    %div3A_307 = arith.divf %convert_element_type3A_305, %div3A_306 : vector<16xf32>
    %mul3A_308 = arith.constant 1.638300e+04 : f32
    %mul3A_309 = vector.broadcast %mul3A_308 : f32 to vector<16xf32>
    %mul3A_310 = arith.mulf %div3A_307, %mul3A_309 : vector<16xf32>
    %convert_element_type3A_311 = arith.fptosi %mul3A_310 : vector<16xf32> to vector<16xi32>
    %swap3A_312 = arith.constant 1 : i32
    %swap3A_313 = arith.index_cast %swap3A_312 : i32 to index
    %swap3A_314 = arith.constant 32 : index
    %swap3A_315 = tpu.vector_load %arg6[%swap3A_313, %swap3A_314] {strides = array<i32>} : memref<4x128xi32, #tpu.memory_space<vmem>>, vector<1x16xi32>,
    %swap3A_316 = vector.shape_cast %swap3A_315 : vector<1x16xi32> to vector<16xi32>
    %swap3A_317 = vector.shape_cast %convert_element_type3A_311 : vector<16xi32> to vector<1x16xi32>
    tpu.vector_store %arg6[%swap3A_313, %swap3A_314], %swap3A_317 {strides = array<i32>} : memref<4x128xi32, #tpu.memory_space<vmem>>, vector<1x16xi32>,
    %add3A_318 = arith.constant 176 : i32
    %add3A_319 = arith.addi %mul3A_2, %add3A_318 : i32
    %get3A_320 = arith.index_cast %add3A_319 : i32 to index
    %get3A_321 = tpu.vector_load %arg5[%get3A_320] {strides = array<i32>} : memref<16384xi32, #tpu.memory_space<vmem>>, vector<16xi32>,
    %get3A_322 = vector.shape_cast %get3A_321 : vector<16xi32> to vector<16xi32>
    %sub3A_323 = vector.broadcast %min3A_96 : i32 to vector<16xi32>
    %sub3A_324 = arith.subi %get3A_322, %sub3A_323 : vector<16xi32>
    %convert_element_type3A_325 = arith.sitofp %sub3A_324 : vector<16xi32> to vector<16xf32>
    %div3A_326 = vector.broadcast %convert_element_type3A : f32 to vector<16xf32>
    %div3A_327 = arith.divf %convert_element_type3A_325, %div3A_326 : vector<16xf32>
    %mul3A_328 = arith.constant 1.638300e+04 : f32
    %mul3A_329 = vector.broadcast %mul3A_328 : f32 to vector<16xf32>
    %mul3A_330 = arith.mulf %div3A_327, %mul3A_329 : vector<16xf32>
    %convert_element_type3A_331 = arith.fptosi %mul3A_330 : vector<16xf32> to vector<16xi32>
    %swap3A_332 = arith.constant 1 : i32
    %swap3A_333 = arith.index_cast %swap3A_332 : i32 to index
    %swap3A_334 = arith.constant 48 : index
    %swap3A_335 = tpu.vector_load %arg6[%swap3A_333, %swap3A_334] {strides = array<i32>} : memref<4x128xi32, #tpu.memory_space<vmem>>, vector<1x16xi32>,
    %swap3A_336 = vector.shape_cast %swap3A_335 : vector<1x16xi32> to vector<16xi32>
    %swap3A_337 = vector.shape_cast %convert_element_type3A_331 : vector<16xi32> to vector<1x16xi32>
    tpu.vector_store %arg6[%swap3A_333, %swap3A_334], %swap3A_337 {strides = array<i32>} : memref<4x128xi32, #tpu.memory_space<vmem>>, vector<1x16xi32>,
    %add3A_338 = arith.constant 192 : i32
    %add3A_339 = arith.addi %mul3A_2, %add3A_338 : i32
    %get3A_340 = arith.index_cast %add3A_339 : i32 to index
    %get3A_341 = tpu.vector_load %arg5[%get3A_340] {strides = array<i32>} : memref<16384xi32, #tpu.memory_space<vmem>>, vector<16xi32>,
    %get3A_342 = vector.shape_cast %get3A_341 : vector<16xi32> to vector<16xi32>
    %sub3A_343 = vector.broadcast %min3A_96 : i32 to vector<16xi32>
    %sub3A_344 = arith.subi %get3A_342, %sub3A_343 : vector<16xi32>
    %convert_element_type3A_345 = arith.sitofp %sub3A_344 : vector<16xi32> to vector<16xf32>
    %div3A_346 = vector.broadcast %convert_element_type3A : f32 to vector<16xf32>
    %div3A_347 = arith.divf %convert_element_type3A_345, %div3A_346 : vector<16xf32>
    %mul3A_348 = arith.constant 1.638300e+04 : f32
    %mul3A_349 = vector.broadcast %mul3A_348 : f32 to vector<16xf32>
    %mul3A_350 = arith.mulf %div3A_347, %mul3A_349 : vector<16xf32>
    %convert_element_type3A_351 = arith.fptosi %mul3A_350 : vector<16xf32> to vector<16xi32>
    %swap3A_352 = arith.constant 1 : i32
    %swap3A_353 = arith.index_cast %swap3A_352 : i32 to index
    %swap3A_354 = arith.constant 64 : index
    %swap3A_355 = tpu.vector_load %arg6[%swap3A_353, %swap3A_354] {strides = array<i32>} : memref<4x128xi32, #tpu.memory_space<vmem>>, vector<1x16xi32>,
    %swap3A_356 = vector.shape_cast %swap3A_355 : vector<1x16xi32> to vector<16xi32>
    %swap3A_357 = vector.shape_cast %convert_element_type3A_351 : vector<16xi32> to vector<1x16xi32>
    tpu.vector_store %arg6[%swap3A_353, %swap3A_354], %swap3A_357 {strides = array<i32>} : memref<4x128xi32, #tpu.memory_space<vmem>>, vector<1x16xi32>,
    %add3A_358 = arith.constant 208 : i32
    %add3A_359 = arith.addi %mul3A_2, %add3A_358 : i32
    %get3A_360 = arith.index_cast %add3A_359 : i32 to index
    %get3A_361 = tpu.vector_load %arg5[%get3A_360] {strides = array<i32>} : memref<16384xi32, #tpu.memory_space<vmem>>, vector<16xi32>,
    %get3A_362 = vector.shape_cast %get3A_361 : vector<16xi32> to vector<16xi32>
    %sub3A_363 = vector.broadcast %min3A_96 : i32 to vector<16xi32>
    %sub3A_364 = arith.subi %get3A_362, %sub3A_363 : vector<16xi32>
    %convert_element_type3A_365 = arith.sitofp %sub3A_364 : vector<16xi32> to vector<16xf32>
    %div3A_366 = vector.broadcast %convert_element_type3A : f32 to vector<16xf32>
    %div3A_367 = arith.divf %convert_element_type3A_365, %div3A_366 : vector<16xf32>
    %mul3A_368 = arith.constant 1.638300e+04 : f32
    %mul3A_369 = vector.broadcast %mul3A_368 : f32 to vector<16xf32>
    %mul3A_370 = arith.mulf %div3A_367, %mul3A_369 : vector<16xf32>
    %convert_element_type3A_371 = arith.fptosi %mul3A_370 : vector<16xf32> to vector<16xi32>
    %swap3A_372 = arith.constant 1 : i32
    %swap3A_373 = arith.index_cast %swap3A_372 : i32 to index
    %swap3A_374 = arith.constant 80 : index
    %swap3A_375 = tpu.vector_load %arg6[%swap3A_373, %swap3A_374] {strides = array<i32>} : memref<4x128xi32, #tpu.memory_space<vmem>>, vector<1x16xi32>,
    %swap3A_376 = vector.shape_cast %swap3A_375 : vector<1x16xi32> to vector<16xi32>
    %swap3A_377 = vector.shape_cast %convert_element_type3A_371 : vector<16xi32> to vector<1x16xi32>
    tpu.vector_store %arg6[%swap3A_373, %swap3A_374], %swap3A_377 {strides = array<i32>} : memref<4x128xi32, #tpu.memory_space<vmem>>, vector<1x16xi32>,
    %add3A_378 = arith.constant 224 : i32
    %add3A_379 = arith.addi %mul3A_2, %add3A_378 : i32
    %get3A_380 = arith.index_cast %add3A_379 : i32 to index
    %get3A_381 = tpu.vector_load %arg5[%get3A_380] {strides = array<i32>} : memref<16384xi32, #tpu.memory_space<vmem>>, vector<16xi32>,
    %get3A_382 = vector.shape_cast %get3A_381 : vector<16xi32> to vector<16xi32>
    %sub3A_383 = vector.broadcast %min3A_96 : i32 to vector<16xi32>
    %sub3A_384 = arith.subi %get3A_382, %sub3A_383 : vector<16xi32>
    %convert_element_type3A_385 = arith.sitofp %sub3A_384 : vector<16xi32> to vector<16xf32>
    %div3A_386 = vector.broadcast %convert_element_type3A : f32 to vector<16xf32>
    %div3A_387 = arith.divf %convert_element_type3A_385, %div3A_386 : vector<16xf32>
    %mul3A_388 = arith.constant 1.638300e+04 : f32
    %mul3A_389 = vector.broadcast %mul3A_388 : f32 to vector<16xf32>
    %mul3A_390 = arith.mulf %div3A_387, %mul3A_389 : vector<16xf32>
    %convert_element_type3A_391 = arith.fptosi %mul3A_390 : vector<16xf32> to vector<16xi32>
    %swap3A_392 = arith.constant 1 : i32
    %swap3A_393 = arith.index_cast %swap3A_392 : i32 to index
    %swap3A_394 = arith.constant 96 : index
    %swap3A_395 = tpu.vector_load %arg6[%swap3A_393, %swap3A_394] {strides = array<i32>} : memref<4x128xi32, #tpu.memory_space<vmem>>, vector<1x16xi32>,
    %swap3A_396 = vector.shape_cast %swap3A_395 : vector<1x16xi32> to vector<16xi32>
    %swap3A_397 = vector.shape_cast %convert_element_type3A_391 : vector<16xi32> to vector<1x16xi32>
    tpu.vector_store %arg6[%swap3A_393, %swap3A_394], %swap3A_397 {strides = array<i32>} : memref<4x128xi32, #tpu.memory_space<vmem>>, vector<1x16xi32>,
    %add3A_398 = arith.constant 240 : i32
    %add3A_399 = arith.addi %mul3A_2, %add3A_398 : i32
    %get3A_400 = arith.index_cast %add3A_399 : i32 to index
    %get3A_401 = tpu.vector_load %arg5[%get3A_400] {strides = array<i32>} : memref<16384xi32, #tpu.memory_space<vmem>>, vector<16xi32>,
    %get3A_402 = vector.shape_cast %get3A_401 : vector<16xi32> to vector<16xi32>
    %sub3A_403 = vector.broadcast %min3A_96 : i32 to vector<16xi32>
    %sub3A_404 = arith.subi %get3A_402, %sub3A_403 : vector<16xi32>
    %convert_element_type3A_405 = arith.sitofp %sub3A_404 : vector<16xi32> to vector<16xf32>
    %div3A_406 = vector.broadcast %convert_element_type3A : f32 to vector<16xf32>
    %div3A_407 = arith.divf %convert_element_type3A_405, %div3A_406 : vector<16xf32>
    %mul3A_408 = arith.constant 1.638300e+04 : f32
    %mul3A_409 = vector.broadcast %mul3A_408 : f32 to vector<16xf32>
    %mul3A_410 = arith.mulf %div3A_407, %mul3A_409 : vector<16xf32>
    %convert_element_type3A_411 = arith.fptosi %mul3A_410 : vector<16xf32> to vector<16xi32>
    %swap3A_412 = arith.constant 1 : i32
    %swap3A_413 = arith.index_cast %swap3A_412 : i32 to index
    %swap3A_414 = arith.constant 112 : index
    %swap3A_415 = tpu.vector_load %arg6[%swap3A_413, %swap3A_414] {strides = array<i32>} : memref<4x128xi32, #tpu.memory_space<vmem>>, vector<1x16xi32>,
    %swap3A_416 = vector.shape_cast %swap3A_415 : vector<1x16xi32> to vector<16xi32>
    %swap3A_417 = vector.shape_cast %convert_element_type3A_411 : vector<16xi32> to vector<1x16xi32>
    tpu.vector_store %arg6[%swap3A_413, %swap3A_414], %swap3A_417 {strides = array<i32>} : memref<4x128xi32, #tpu.memory_space<vmem>>, vector<1x16xi32>,
    %add3A_418 = arith.constant 256 : i32
    %add3A_419 = arith.addi %mul3A_2, %add3A_418 : i32
    %get3A_420 = arith.index_cast %add3A_419 : i32 to index
    %get3A_421 = tpu.vector_load %arg5[%get3A_420] {strides = array<i32>} : memref<16384xi32, #tpu.memory_space<vmem>>, vector<16xi32>,
    %get3A_422 = vector.shape_cast %get3A_421 : vector<16xi32> to vector<16xi32>
    %sub3A_423 = vector.broadcast %min3A_96 : i32 to vector<16xi32>
    %sub3A_424 = arith.subi %get3A_422, %sub3A_423 : vector<16xi32>
    %convert_element_type3A_425 = arith.sitofp %sub3A_424 : vector<16xi32> to vector<16xf32>
    %div3A_426 = vector.broadcast %convert_element_type3A : f32 to vector<16xf32>
    %div3A_427 = arith.divf %convert_element_type3A_425, %div3A_426 : vector<16xf32>
    %mul3A_428 = arith.constant 1.638300e+04 : f32
    %mul3A_429 = vector.broadcast %mul3A_428 : f32 to vector<16xf32>
    %mul3A_430 = arith.mulf %div3A_427, %mul3A_429 : vector<16xf32>
    %convert_element_type3A_431 = arith.fptosi %mul3A_430 : vector<16xf32> to vector<16xi32>
    %swap3A_432 = arith.constant 2 : i32
    %swap3A_433 = arith.index_cast %swap3A_432 : i32 to index
    %swap3A_434 = arith.constant 0 : index
    %swap3A_435 = tpu.vector_load %arg6[%swap3A_433, %swap3A_434] {strides = array<i32>} : memref<4x128xi32, #tpu.memory_space<vmem>>, vector<1x16xi32>,
    %swap3A_436 = vector.shape_cast %swap3A_435 : vector<1x16xi32> to vector<16xi32>
    %swap3A_437 = vector.shape_cast %convert_element_type3A_431 : vector<16xi32> to vector<1x16xi32>
    tpu.vector_store %arg6[%swap3A_433, %swap3A_434], %swap3A_437 {strides = array<i32>} : memref<4x128xi32, #tpu.memory_space<vmem>>, vector<1x16xi32>,
    %add3A_438 = arith.constant 272 : i32
    %add3A_439 = arith.addi %mul3A_2, %add3A_438 : i32
    %get3A_440 = arith.index_cast %add3A_439 : i32 to index
    %get3A_441 = tpu.vector_load %arg5[%get3A_440] {strides = array<i32>} : memref<16384xi32, #tpu.memory_space<vmem>>, vector<16xi32>,
    %get3A_442 = vector.shape_cast %get3A_441 : vector<16xi32> to vector<16xi32>
    %sub3A_443 = vector.broadcast %min3A_96 : i32 to vector<16xi32>
    %sub3A_444 = arith.subi %get3A_442, %sub3A_443 : vector<16xi32>
    %convert_element_type3A_445 = arith.sitofp %sub3A_444 : vector<16xi32> to vector<16xf32>
    %div3A_446 = vector.broadcast %convert_element_type3A : f32 to vector<16xf32>
    %div3A_447 = arith.divf %convert_element_type3A_445, %div3A_446 : vector<16xf32>
    %mul3A_448 = arith.constant 1.638300e+04 : f32
    %mul3A_449 = vector.broadcast %mul3A_448 : f32 to vector<16xf32>
    %mul3A_450 = arith.mulf %div3A_447, %mul3A_449 : vector<16xf32>
    %convert_element_type3A_451 = arith.fptosi %mul3A_450 : vector<16xf32> to vector<16xi32>
    %swap3A_452 = arith.constant 2 : i32
    %swap3A_453 = arith.index_cast %swap3A_452 : i32 to index
    %swap3A_454 = arith.constant 16 : index
    %swap3A_455 = tpu.vector_load %arg6[%swap3A_453, %swap3A_454] {strides = array<i32>} : memref<4x128xi32, #tpu.memory_space<vmem>>, vector<1x16xi32>,
    %swap3A_456 = vector.shape_cast %swap3A_455 : vector<1x16xi32> to vector<16xi32>
    %swap3A_457 = vector.shape_cast %convert_element_type3A_451 : vector<16xi32> to vector<1x16xi32>
    tpu.vector_store %arg6[%swap3A_453, %swap3A_454], %swap3A_457 {strides = array<i32>} : memref<4x128xi32, #tpu.memory_space<vmem>>, vector<1x16xi32>,
    %add3A_458 = arith.constant 288 : i32
    %add3A_459 = arith.addi %mul3A_2, %add3A_458 : i32
    %get3A_460 = arith.index_cast %add3A_459 : i32 to index
    %get3A_461 = tpu.vector_load %arg5[%get3A_460] {strides = array<i32>} : memref<16384xi32, #tpu.memory_space<vmem>>, vector<16xi32>,
    %get3A_462 = vector.shape_cast %get3A_461 : vector<16xi32> to vector<16xi32>
    %sub3A_463 = vector.broadcast %min3A_96 : i32 to vector<16xi32>
    %sub3A_464 = arith.subi %get3A_462, %sub3A_463 : vector<16xi32>
    %convert_element_type3A_465 = arith.sitofp %sub3A_464 : vector<16xi32> to vector<16xf32>
    %div3A_466 = vector.broadcast %convert_element_type3A : f32 to vector<16xf32>
    %div3A_467 = arith.divf %convert_element_type3A_465, %div3A_466 : vector<16xf32>
    %mul3A_468 = arith.constant 1.638300e+04 : f32
    %mul3A_469 = vector.broadcast %mul3A_468 : f32 to vector<16xf32>
    %mul3A_470 = arith.mulf %div3A_467, %mul3A_469 : vector<16xf32>
    %convert_element_type3A_471 = arith.fptosi %mul3A_470 : vector<16xf32> to vector<16xi32>
    %swap3A_472 = arith.constant 2 : i32
    %swap3A_473 = arith.index_cast %swap3A_472 : i32 to index
    %swap3A_474 = arith.constant 32 : index
    %swap3A_475 = tpu.vector_load %arg6[%swap3A_473, %swap3A_474] {strides = array<i32>} : memref<4x128xi32, #tpu.memory_space<vmem>>, vector<1x16xi32>,
    %swap3A_476 = vector.shape_cast %swap3A_475 : vector<1x16xi32> to vector<16xi32>
    %swap3A_477 = vector.shape_cast %convert_element_type3A_471 : vector<16xi32> to vector<1x16xi32>
    tpu.vector_store %arg6[%swap3A_473, %swap3A_474], %swap3A_477 {strides = array<i32>} : memref<4x128xi32, #tpu.memory_space<vmem>>, vector<1x16xi32>,
    %add3A_478 = arith.constant 304 : i32
    %add3A_479 = arith.addi %mul3A_2, %add3A_478 : i32
    %get3A_480 = arith.index_cast %add3A_479 : i32 to index
    %get3A_481 = tpu.vector_load %arg5[%get3A_480] {strides = array<i32>} : memref<16384xi32, #tpu.memory_space<vmem>>, vector<16xi32>,
    %get3A_482 = vector.shape_cast %get3A_481 : vector<16xi32> to vector<16xi32>
    %sub3A_483 = vector.broadcast %min3A_96 : i32 to vector<16xi32>
    %sub3A_484 = arith.subi %get3A_482, %sub3A_483 : vector<16xi32>
    %convert_element_type3A_485 = arith.sitofp %sub3A_484 : vector<16xi32> to vector<16xf32>
    %div3A_486 = vector.broadcast %convert_element_type3A : f32 to vector<16xf32>
    %div3A_487 = arith.divf %convert_element_type3A_485, %div3A_486 : vector<16xf32>
    %mul3A_488 = arith.constant 1.638300e+04 : f32
    %mul3A_489 = vector.broadcast %mul3A_488 : f32 to vector<16xf32>
    %mul3A_490 = arith.mulf %div3A_487, %mul3A_489 : vector<16xf32>
    %convert_element_type3A_491 = arith.fptosi %mul3A_490 : vector<16xf32> to vector<16xi32>
    %swap3A_492 = arith.constant 2 : i32
    %swap3A_493 = arith.index_cast %swap3A_492 : i32 to index
    %swap3A_494 = arith.constant 48 : index
    %swap3A_495 = tpu.vector_load %arg6[%swap3A_493, %swap3A_494] {strides = array<i32>} : memref<4x128xi32, #tpu.memory_space<vmem>>, vector<1x16xi32>,
    %swap3A_496 = vector.shape_cast %swap3A_495 : vector<1x16xi32> to vector<16xi32>
    %swap3A_497 = vector.shape_cast %convert_element_type3A_491 : vector<16xi32> to vector<1x16xi32>
    tpu.vector_store %arg6[%swap3A_493, %swap3A_494], %swap3A_497 {strides = array<i32>} : memref<4x128xi32, #tpu.memory_space<vmem>>, vector<1x16xi32>,
    %add3A_498 = arith.constant 320 : i32
    %add3A_499 = arith.addi %mul3A_2, %add3A_498 : i32
    %get3A_500 = arith.index_cast %add3A_499 : i32 to index
    %get3A_501 = tpu.vector_load %arg5[%get3A_500] {strides = array<i32>} : memref<16384xi32, #tpu.memory_space<vmem>>, vector<16xi32>,
    %get3A_502 = vector.shape_cast %get3A_501 : vector<16xi32> to vector<16xi32>
    %sub3A_503 = vector.broadcast %min3A_96 : i32 to vector<16xi32>
    %sub3A_504 = arith.subi %get3A_502, %sub3A_503 : vector<16xi32>
    %convert_element_type3A_505 = arith.sitofp %sub3A_504 : vector<16xi32> to vector<16xf32>
    %div3A_506 = vector.broadcast %convert_element_type3A : f32 to vector<16xf32>
    %div3A_507 = arith.divf %convert_element_type3A_505, %div3A_506 : vector<16xf32>
    %mul3A_508 = arith.constant 1.638300e+04 : f32
    %mul3A_509 = vector.broadcast %mul3A_508 : f32 to vector<16xf32>
    %mul3A_510 = arith.mulf %div3A_507, %mul3A_509 : vector<16xf32>
    %convert_element_type3A_511 = arith.fptosi %mul3A_510 : vector<16xf32> to vector<16xi32>
    %swap3A_512 = arith.constant 2 : i32
    %swap3A_513 = arith.index_cast %swap3A_512 : i32 to index
    %swap3A_514 = arith.constant 64 : index
    %swap3A_515 = tpu.vector_load %arg6[%swap3A_513, %swap3A_514] {strides = array<i32>} : memref<4x128xi32, #tpu.memory_space<vmem>>, vector<1x16xi32>,
    %swap3A_516 = vector.shape_cast %swap3A_515 : vector<1x16xi32> to vector<16xi32>
    %swap3A_517 = vector.shape_cast %convert_element_type3A_511 : vector<16xi32> to vector<1x16xi32>
    tpu.vector_store %arg6[%swap3A_513, %swap3A_514], %swap3A_517 {strides = array<i32>} : memref<4x128xi32, #tpu.memory_space<vmem>>, vector<1x16xi32>,
    %add3A_518 = arith.constant 336 : i32
    %add3A_519 = arith.addi %mul3A_2, %add3A_518 : i32
    %get3A_520 = arith.index_cast %add3A_519 : i32 to index
    %get3A_521 = tpu.vector_load %arg5[%get3A_520] {strides = array<i32>} : memref<16384xi32, #tpu.memory_space<vmem>>, vector<16xi32>,
    %get3A_522 = vector.shape_cast %get3A_521 : vector<16xi32> to vector<16xi32>
    %sub3A_523 = vector.broadcast %min3A_96 : i32 to vector<16xi32>
    %sub3A_524 = arith.subi %get3A_522, %sub3A_523 : vector<16xi32>
    %convert_element_type3A_525 = arith.sitofp %sub3A_524 : vector<16xi32> to vector<16xf32>
    %div3A_526 = vector.broadcast %convert_element_type3A : f32 to vector<16xf32>
    %div3A_527 = arith.divf %convert_element_type3A_525, %div3A_526 : vector<16xf32>
    %mul3A_528 = arith.constant 1.638300e+04 : f32
    %mul3A_529 = vector.broadcast %mul3A_528 : f32 to vector<16xf32>
    %mul3A_530 = arith.mulf %div3A_527, %mul3A_529 : vector<16xf32>
    %convert_element_type3A_531 = arith.fptosi %mul3A_530 : vector<16xf32> to vector<16xi32>
    %swap3A_532 = arith.constant 2 : i32
    %swap3A_533 = arith.index_cast %swap3A_532 : i32 to index
    %swap3A_534 = arith.constant 80 : index
    %swap3A_535 = tpu.vector_load %arg6[%swap3A_533, %swap3A_534] {strides = array<i32>} : memref<4x128xi32, #tpu.memory_space<vmem>>, vector<1x16xi32>,
    %swap3A_536 = vector.shape_cast %swap3A_535 : vector<1x16xi32> to vector<16xi32>
    %swap3A_537 = vector.shape_cast %convert_element_type3A_531 : vector<16xi32> to vector<1x16xi32>
    tpu.vector_store %arg6[%swap3A_533, %swap3A_534], %swap3A_537 {strides = array<i32>} : memref<4x128xi32, #tpu.memory_space<vmem>>, vector<1x16xi32>,
    %add3A_538 = arith.constant 352 : i32
    %add3A_539 = arith.addi %mul3A_2, %add3A_538 : i32
    %get3A_540 = arith.index_cast %add3A_539 : i32 to index
    %get3A_541 = tpu.vector_load %arg5[%get3A_540] {strides = array<i32>} : memref<16384xi32, #tpu.memory_space<vmem>>, vector<16xi32>,
    %get3A_542 = vector.shape_cast %get3A_541 : vector<16xi32> to vector<16xi32>
    %sub3A_543 = vector.broadcast %min3A_96 : i32 to vector<16xi32>
    %sub3A_544 = arith.subi %get3A_542, %sub3A_543 : vector<16xi32>
    %convert_element_type3A_545 = arith.sitofp %sub3A_544 : vector<16xi32> to vector<16xf32>
    %div3A_546 = vector.broadcast %convert_element_type3A : f32 to vector<16xf32>
    %div3A_547 = arith.divf %convert_element_type3A_545, %div3A_546 : vector<16xf32>
    %mul3A_548 = arith.constant 1.638300e+04 : f32
    %mul3A_549 = vector.broadcast %mul3A_548 : f32 to vector<16xf32>
    %mul3A_550 = arith.mulf %div3A_547, %mul3A_549 : vector<16xf32>
    %convert_element_type3A_551 = arith.fptosi %mul3A_550 : vector<16xf32> to vector<16xi32>
    %swap3A_552 = arith.constant 2 : i32
    %swap3A_553 = arith.index_cast %swap3A_552 : i32 to index
    %swap3A_554 = arith.constant 96 : index
    %swap3A_555 = tpu.vector_load %arg6[%swap3A_553, %swap3A_554] {strides = array<i32>} : memref<4x128xi32, #tpu.memory_space<vmem>>, vector<1x16xi32>,
    %swap3A_556 = vector.shape_cast %swap3A_555 : vector<1x16xi32> to vector<16xi32>
    %swap3A_557 = vector.shape_cast %convert_element_type3A_551 : vector<16xi32> to vector<1x16xi32>
    tpu.vector_store %arg6[%swap3A_553, %swap3A_554], %swap3A_557 {strides = array<i32>} : memref<4x128xi32, #tpu.memory_space<vmem>>, vector<1x16xi32>,
    %add3A_558 = arith.constant 368 : i32
    %add3A_559 = arith.addi %mul3A_2, %add3A_558 : i32
    %get3A_560 = arith.index_cast %add3A_559 : i32 to index
    %get3A_561 = tpu.vector_load %arg5[%get3A_560] {strides = array<i32>} : memref<16384xi32, #tpu.memory_space<vmem>>, vector<16xi32>,
    %get3A_562 = vector.shape_cast %get3A_561 : vector<16xi32> to vector<16xi32>
    %sub3A_563 = vector.broadcast %min3A_96 : i32 to vector<16xi32>
    %sub3A_564 = arith.subi %get3A_562, %sub3A_563 : vector<16xi32>
    %convert_element_type3A_565 = arith.sitofp %sub3A_564 : vector<16xi32> to vector<16xf32>
    %div3A_566 = vector.broadcast %convert_element_type3A : f32 to vector<16xf32>
    %div3A_567 = arith.divf %convert_element_type3A_565, %div3A_566 : vector<16xf32>
    %mul3A_568 = arith.constant 1.638300e+04 : f32
    %mul3A_569 = vector.broadcast %mul3A_568 : f32 to vector<16xf32>
    %mul3A_570 = arith.mulf %div3A_567, %mul3A_569 : vector<16xf32>
    %convert_element_type3A_571 = arith.fptosi %mul3A_570 : vector<16xf32> to vector<16xi32>
    %swap3A_572 = arith.constant 2 : i32
    %swap3A_573 = arith.index_cast %swap3A_572 : i32 to index
    %swap3A_574 = arith.constant 112 : index
    %swap3A_575 = tpu.vector_load %arg6[%swap3A_573, %swap3A_574] {strides = array<i32>} : memref<4x128xi32, #tpu.memory_space<vmem>>, vector<1x16xi32>,
    %swap3A_576 = vector.shape_cast %swap3A_575 : vector<1x16xi32> to vector<16xi32>
    %swap3A_577 = vector.shape_cast %convert_element_type3A_571 : vector<16xi32> to vector<1x16xi32>
    tpu.vector_store %arg6[%swap3A_573, %swap3A_574], %swap3A_577 {strides = array<i32>} : memref<4x128xi32, #tpu.memory_space<vmem>>, vector<1x16xi32>,
    %add3A_578 = arith.constant 384 : i32
    %add3A_579 = arith.addi %mul3A_2, %add3A_578 : i32
    %get3A_580 = arith.index_cast %add3A_579 : i32 to index
    %get3A_581 = tpu.vector_load %arg5[%get3A_580] {strides = array<i32>} : memref<16384xi32, #tpu.memory_space<vmem>>, vector<16xi32>,
    %get3A_582 = vector.shape_cast %get3A_581 : vector<16xi32> to vector<16xi32>
    %sub3A_583 = vector.broadcast %min3A_96 : i32 to vector<16xi32>
    %sub3A_584 = arith.subi %get3A_582, %sub3A_583 : vector<16xi32>
    %convert_element_type3A_585 = arith.sitofp %sub3A_584 : vector<16xi32> to vector<16xf32>
    %div3A_586 = vector.broadcast %convert_element_type3A : f32 to vector<16xf32>
    %div3A_587 = arith.divf %convert_element_type3A_585, %div3A_586 : vector<16xf32>
    %mul3A_588 = arith.constant 1.638300e+04 : f32
    %mul3A_589 = vector.broadcast %mul3A_588 : f32 to vector<16xf32>
    %mul3A_590 = arith.mulf %div3A_587, %mul3A_589 : vector<16xf32>
    %convert_element_type3A_591 = arith.fptosi %mul3A_590 : vector<16xf32> to vector<16xi32>
    %swap3A_592 = arith.constant 3 : i32
    %swap3A_593 = arith.index_cast %swap3A_592 : i32 to index
    %swap3A_594 = arith.constant 0 : index
    %swap3A_595 = tpu.vector_load %arg6[%swap3A_593, %swap3A_594] {strides = array<i32>} : memref<4x128xi32, #tpu.memory_space<vmem>>, vector<1x16xi32>,
    %swap3A_596 = vector.shape_cast %swap3A_595 : vector<1x16xi32> to vector<16xi32>
    %swap3A_597 = vector.shape_cast %convert_element_type3A_591 : vector<16xi32> to vector<1x16xi32>
    tpu.vector_store %arg6[%swap3A_593, %swap3A_594], %swap3A_597 {strides = array<i32>} : memref<4x128xi32, #tpu.memory_space<vmem>>, vector<1x16xi32>,
    %add3A_598 = arith.constant 400 : i32
    %add3A_599 = arith.addi %mul3A_2, %add3A_598 : i32
    %get3A_600 = arith.index_cast %add3A_599 : i32 to index
    %get3A_601 = tpu.vector_load %arg5[%get3A_600] {strides = array<i32>} : memref<16384xi32, #tpu.memory_space<vmem>>, vector<16xi32>,
    %get3A_602 = vector.shape_cast %get3A_601 : vector<16xi32> to vector<16xi32>
    %sub3A_603 = vector.broadcast %min3A_96 : i32 to vector<16xi32>
    %sub3A_604 = arith.subi %get3A_602, %sub3A_603 : vector<16xi32>
    %convert_element_type3A_605 = arith.sitofp %sub3A_604 : vector<16xi32> to vector<16xf32>
    %div3A_606 = vector.broadcast %convert_element_type3A : f32 to vector<16xf32>
    %div3A_607 = arith.divf %convert_element_type3A_605, %div3A_606 : vector<16xf32>
    %mul3A_608 = arith.constant 1.638300e+04 : f32
    %mul3A_609 = vector.broadcast %mul3A_608 : f32 to vector<16xf32>
    %mul3A_610 = arith.mulf %div3A_607, %mul3A_609 : vector<16xf32>
    %convert_element_type3A_611 = arith.fptosi %mul3A_610 : vector<16xf32> to vector<16xi32>
    %swap3A_612 = arith.constant 3 : i32
    %swap3A_613 = arith.index_cast %swap3A_612 : i32 to index
    %swap3A_614 = arith.constant 16 : index
    %swap3A_615 = tpu.vector_load %arg6[%swap3A_613, %swap3A_614] {strides = array<i32>} : memref<4x128xi32, #tpu.memory_space<vmem>>, vector<1x16xi32>,
    %swap3A_616 = vector.shape_cast %swap3A_615 : vector<1x16xi32> to vector<16xi32>
    %swap3A_617 = vector.shape_cast %convert_element_type3A_611 : vector<16xi32> to vector<1x16xi32>
    tpu.vector_store %arg6[%swap3A_613, %swap3A_614], %swap3A_617 {strides = array<i32>} : memref<4x128xi32, #tpu.memory_space<vmem>>, vector<1x16xi32>,
    %add3A_618 = arith.constant 416 : i32
    %add3A_619 = arith.addi %mul3A_2, %add3A_618 : i32
    %get3A_620 = arith.index_cast %add3A_619 : i32 to index
    %get3A_621 = tpu.vector_load %arg5[%get3A_620] {strides = array<i32>} : memref<16384xi32, #tpu.memory_space<vmem>>, vector<16xi32>,
    %get3A_622 = vector.shape_cast %get3A_621 : vector<16xi32> to vector<16xi32>
    %sub3A_623 = vector.broadcast %min3A_96 : i32 to vector<16xi32>
    %sub3A_624 = arith.subi %get3A_622, %sub3A_623 : vector<16xi32>
    %convert_element_type3A_625 = arith.sitofp %sub3A_624 : vector<16xi32> to vector<16xf32>
    %div3A_626 = vector.broadcast %convert_element_type3A : f32 to vector<16xf32>
    %div3A_627 = arith.divf %convert_element_type3A_625, %div3A_626 : vector<16xf32>
    %mul3A_628 = arith.constant 1.638300e+04 : f32
    %mul3A_629 = vector.broadcast %mul3A_628 : f32 to vector<16xf32>
    %mul3A_630 = arith.mulf %div3A_627, %mul3A_629 : vector<16xf32>
    %convert_element_type3A_631 = arith.fptosi %mul3A_630 : vector<16xf32> to vector<16xi32>
    %swap3A_632 = arith.constant 3 : i32
    %swap3A_633 = arith.index_cast %swap3A_632 : i32 to index
    %swap3A_634 = arith.constant 32 : index
    %swap3A_635 = tpu.vector_load %arg6[%swap3A_633, %swap3A_634] {strides = array<i32>} : memref<4x128xi32, #tpu.memory_space<vmem>>, vector<1x16xi32>,
    %swap3A_636 = vector.shape_cast %swap3A_635 : vector<1x16xi32> to vector<16xi32>
    %swap3A_637 = vector.shape_cast %convert_element_type3A_631 : vector<16xi32> to vector<1x16xi32>
    tpu.vector_store %arg6[%swap3A_633, %swap3A_634], %swap3A_637 {strides = array<i32>} : memref<4x128xi32, #tpu.memory_space<vmem>>, vector<1x16xi32>,
    %add3A_638 = arith.constant 432 : i32
    %add3A_639 = arith.addi %mul3A_2, %add3A_638 : i32
    %get3A_640 = arith.index_cast %add3A_639 : i32 to index
    %get3A_641 = tpu.vector_load %arg5[%get3A_640] {strides = array<i32>} : memref<16384xi32, #tpu.memory_space<vmem>>, vector<16xi32>,
    %get3A_642 = vector.shape_cast %get3A_641 : vector<16xi32> to vector<16xi32>
    %sub3A_643 = vector.broadcast %min3A_96 : i32 to vector<16xi32>
    %sub3A_644 = arith.subi %get3A_642, %sub3A_643 : vector<16xi32>
    %convert_element_type3A_645 = arith.sitofp %sub3A_644 : vector<16xi32> to vector<16xf32>
    %div3A_646 = vector.broadcast %convert_element_type3A : f32 to vector<16xf32>
    %div3A_647 = arith.divf %convert_element_type3A_645, %div3A_646 : vector<16xf32>
    %mul3A_648 = arith.constant 1.638300e+04 : f32
    %mul3A_649 = vector.broadcast %mul3A_648 : f32 to vector<16xf32>
    %mul3A_650 = arith.mulf %div3A_647, %mul3A_649 : vector<16xf32>
    %convert_element_type3A_651 = arith.fptosi %mul3A_650 : vector<16xf32> to vector<16xi32>
    %swap3A_652 = arith.constant 3 : i32
    %swap3A_653 = arith.index_cast %swap3A_652 : i32 to index
    %swap3A_654 = arith.constant 48 : index
    %swap3A_655 = tpu.vector_load %arg6[%swap3A_653, %swap3A_654] {strides = array<i32>} : memref<4x128xi32, #tpu.memory_space<vmem>>, vector<1x16xi32>,
    %swap3A_656 = vector.shape_cast %swap3A_655 : vector<1x16xi32> to vector<16xi32>
    %swap3A_657 = vector.shape_cast %convert_element_type3A_651 : vector<16xi32> to vector<1x16xi32>
    tpu.vector_store %arg6[%swap3A_653, %swap3A_654], %swap3A_657 {strides = array<i32>} : memref<4x128xi32, #tpu.memory_space<vmem>>, vector<1x16xi32>,
    %add3A_658 = arith.constant 448 : i32
    %add3A_659 = arith.addi %mul3A_2, %add3A_658 : i32
    %get3A_660 = arith.index_cast %add3A_659 : i32 to index
    %get3A_661 = tpu.vector_load %arg5[%get3A_660] {strides = array<i32>} : memref<16384xi32, #tpu.memory_space<vmem>>, vector<16xi32>,
    %get3A_662 = vector.shape_cast %get3A_661 : vector<16xi32> to vector<16xi32>
    %sub3A_663 = vector.broadcast %min3A_96 : i32 to vector<16xi32>
    %sub3A_664 = arith.subi %get3A_662, %sub3A_663 : vector<16xi32>
    %convert_element_type3A_665 = arith.sitofp %sub3A_664 : vector<16xi32> to vector<16xf32>
    %div3A_666 = vector.broadcast %convert_element_type3A : f32 to vector<16xf32>
    %div3A_667 = arith.divf %convert_element_type3A_665, %div3A_666 : vector<16xf32>
    %mul3A_668 = arith.constant 1.638300e+04 : f32
    %mul3A_669 = vector.broadcast %mul3A_668 : f32 to vector<16xf32>
    %mul3A_670 = arith.mulf %div3A_667, %mul3A_669 : vector<16xf32>
    %convert_element_type3A_671 = arith.fptosi %mul3A_670 : vector<16xf32> to vector<16xi32>
    %swap3A_672 = arith.constant 3 : i32
    %swap3A_673 = arith.index_cast %swap3A_672 : i32 to index
    %swap3A_674 = arith.constant 64 : index
    %swap3A_675 = tpu.vector_load %arg6[%swap3A_673, %swap3A_674] {strides = array<i32>} : memref<4x128xi32, #tpu.memory_space<vmem>>, vector<1x16xi32>,
    %swap3A_676 = vector.shape_cast %swap3A_675 : vector<1x16xi32> to vector<16xi32>
    %swap3A_677 = vector.shape_cast %convert_element_type3A_671 : vector<16xi32> to vector<1x16xi32>
    tpu.vector_store %arg6[%swap3A_673, %swap3A_674], %swap3A_677 {strides = array<i32>} : memref<4x128xi32, #tpu.memory_space<vmem>>, vector<1x16xi32>,
    %add3A_678 = arith.constant 464 : i32
    %add3A_679 = arith.addi %mul3A_2, %add3A_678 : i32
    %get3A_680 = arith.index_cast %add3A_679 : i32 to index
    %get3A_681 = tpu.vector_load %arg5[%get3A_680] {strides = array<i32>} : memref<16384xi32, #tpu.memory_space<vmem>>, vector<16xi32>,
    %get3A_682 = vector.shape_cast %get3A_681 : vector<16xi32> to vector<16xi32>
    %sub3A_683 = vector.broadcast %min3A_96 : i32 to vector<16xi32>
    %sub3A_684 = arith.subi %get3A_682, %sub3A_683 : vector<16xi32>
    %convert_element_type3A_685 = arith.sitofp %sub3A_684 : vector<16xi32> to vector<16xf32>
    %div3A_686 = vector.broadcast %convert_element_type3A : f32 to vector<16xf32>
    %div3A_687 = arith.divf %convert_element_type3A_685, %div3A_686 : vector<16xf32>
    %mul3A_688 = arith.constant 1.638300e+04 : f32
    %mul3A_689 = vector.broadcast %mul3A_688 : f32 to vector<16xf32>
    %mul3A_690 = arith.mulf %div3A_687, %mul3A_689 : vector<16xf32>
    %convert_element_type3A_691 = arith.fptosi %mul3A_690 : vector<16xf32> to vector<16xi32>
    %swap3A_692 = arith.constant 3 : i32
    %swap3A_693 = arith.index_cast %swap3A_692 : i32 to index
    %swap3A_694 = arith.constant 80 : index
    %swap3A_695 = tpu.vector_load %arg6[%swap3A_693, %swap3A_694] {strides = array<i32>} : memref<4x128xi32, #tpu.memory_space<vmem>>, vector<1x16xi32>,
    %swap3A_696 = vector.shape_cast %swap3A_695 : vector<1x16xi32> to vector<16xi32>
    %swap3A_697 = vector.shape_cast %convert_element_type3A_691 : vector<16xi32> to vector<1x16xi32>
    tpu.vector_store %arg6[%swap3A_693, %swap3A_694], %swap3A_697 {strides = array<i32>} : memref<4x128xi32, #tpu.memory_space<vmem>>, vector<1x16xi32>,
    %add3A_698 = arith.constant 480 : i32
    %add3A_699 = arith.addi %mul3A_2, %add3A_698 : i32
    %get3A_700 = arith.index_cast %add3A_699 : i32 to index
    %get3A_701 = tpu.vector_load %arg5[%get3A_700] {strides = array<i32>} : memref<16384xi32, #tpu.memory_space<vmem>>, vector<16xi32>,
    %get3A_702 = vector.shape_cast %get3A_701 : vector<16xi32> to vector<16xi32>
    %sub3A_703 = vector.broadcast %min3A_96 : i32 to vector<16xi32>
    %sub3A_704 = arith.subi %get3A_702, %sub3A_703 : vector<16xi32>
    %convert_element_type3A_705 = arith.sitofp %sub3A_704 : vector<16xi32> to vector<16xf32>
    %div3A_706 = vector.broadcast %convert_element_type3A : f32 to vector<16xf32>
    %div3A_707 = arith.divf %convert_element_type3A_705, %div3A_706 : vector<16xf32>
    %mul3A_708 = arith.constant 1.638300e+04 : f32
    %mul3A_709 = vector.broadcast %mul3A_708 : f32 to vector<16xf32>
    %mul3A_710 = arith.mulf %div3A_707, %mul3A_709 : vector<16xf32>
    %convert_element_type3A_711 = arith.fptosi %mul3A_710 : vector<16xf32> to vector<16xi32>
    %swap3A_712 = arith.constant 3 : i32
    %swap3A_713 = arith.index_cast %swap3A_712 : i32 to index
    %swap3A_714 = arith.constant 96 : index
    %swap3A_715 = tpu.vector_load %arg6[%swap3A_713, %swap3A_714] {strides = array<i32>} : memref<4x128xi32, #tpu.memory_space<vmem>>, vector<1x16xi32>,
    %swap3A_716 = vector.shape_cast %swap3A_715 : vector<1x16xi32> to vector<16xi32>
    %swap3A_717 = vector.shape_cast %convert_element_type3A_711 : vector<16xi32> to vector<1x16xi32>
    tpu.vector_store %arg6[%swap3A_713, %swap3A_714], %swap3A_717 {strides = array<i32>} : memref<4x128xi32, #tpu.memory_space<vmem>>, vector<1x16xi32>,
    %add3A_718 = arith.constant 496 : i32
    %add3A_719 = arith.addi %mul3A_2, %add3A_718 : i32
    %get3A_720 = arith.index_cast %add3A_719 : i32 to index
    %get3A_721 = tpu.vector_load %arg5[%get3A_720] {strides = array<i32>} : memref<16384xi32, #tpu.memory_space<vmem>>, vector<16xi32>,
    %get3A_722 = vector.shape_cast %get3A_721 : vector<16xi32> to vector<16xi32>
    %sub3A_723 = vector.broadcast %min3A_96 : i32 to vector<16xi32>
    %sub3A_724 = arith.subi %get3A_722, %sub3A_723 : vector<16xi32>
    %convert_element_type3A_725 = arith.sitofp %sub3A_724 : vector<16xi32> to vector<16xf32>
    %div3A_726 = vector.broadcast %convert_element_type3A : f32 to vector<16xf32>
    %div3A_727 = arith.divf %convert_element_type3A_725, %div3A_726 : vector<16xf32>
    %mul3A_728 = arith.constant 1.638300e+04 : f32
    %mul3A_729 = vector.broadcast %mul3A_728 : f32 to vector<16xf32>
    %mul3A_730 = arith.mulf %div3A_727, %mul3A_729 : vector<16xf32>
    %convert_element_type3A_731 = arith.fptosi %mul3A_730 : vector<16xf32> to vector<16xi32>
    %swap3A_732 = arith.constant 3 : i32
    %swap3A_733 = arith.index_cast %swap3A_732 : i32 to index
    %swap3A_734 = arith.constant 112 : index
    %swap3A_735 = tpu.vector_load %arg6[%swap3A_733, %swap3A_734] {strides = array<i32>} : memref<4x128xi32, #tpu.memory_space<vmem>>, vector<1x16xi32>,
    %swap3A_736 = vector.shape_cast %swap3A_735 : vector<1x16xi32> to vector<16xi32>
    %swap3A_737 = vector.shape_cast %convert_element_type3A_731 : vector<16xi32> to vector<1x16xi32>
    tpu.vector_store %arg6[%swap3A_733, %swap3A_734], %swap3A_737 {strides = array<i32>} : memref<4x128xi32, #tpu.memory_space<vmem>>, vector<1x16xi32>,
    %dma_start3A = arith.constant 0 : i32
    %dma_start3A_738 = arith.constant 0 : i32
    %dma_start3A_739 = arith.constant 0 : i32
    %dma_start3A_740 = tpu.memref_slice %arg7[%dma_start3A_738, %dma_start3A_739] : memref<512x32xf32, #tpu.memory_space<vmem>> -> memref<128x32xf32, #tpu.memory_space<vmem>>
    %dma_start3A_741 = arith.constant 0 : i32
    %dma_start3A_742 = tpu.memref_slice %arg6[%dma_start3A, %dma_start3A_741] : memref<4x128xi32, #tpu.memory_space<vmem>> -> memref<1x128xi32, #tpu.memory_space<vmem>>
    %dma_start3A_743 = tpu.memref_squeeze %dma_start3A_742 : memref<1x128xi32, #tpu.memory_space<vmem>> -> memref<128xi32, #tpu.memory_space<vmem>>
    %dma_start3A_744 = arith.constant 0 : i32
    %dma_start3A_745 = arith.constant 0 : i32
    %dma_start3A_746 = tpu.memref_slice %arg3[%dma_start3A_744, %dma_start3A_745] : memref<1000000x32xf32, #tpu.memory_space<hbm>> -> memref<1000000x32xf32, #tpu.memory_space<hbm>>
    tpu.enqueue_indirect_dma source(%dma_start3A_746 : memref<1000000x32xf32, #tpu.memory_space<hbm>>) target(%dma_start3A_740 : memref<128x32xf32, #tpu.memory_space<vmem>>) offsets(%dma_start3A_743 : memref<128xi32, #tpu.memory_space<vmem>>) semaphore(%arg8 : memref<!tpu.dma_semaphore, #tpu.memory_space<semaphore_mem>>)
    %dma_start3A_747 = arith.constant 1 : i32
    %dma_start3A_748 = arith.constant 128 : i32
    %dma_start3A_749 = arith.constant 0 : i32
    %dma_start3A_750 = tpu.memref_slice %arg7[%dma_start3A_748, %dma_start3A_749] : memref<512x32xf32, #tpu.memory_space<vmem>> -> memref<128x32xf32, #tpu.memory_space<vmem>>
    %dma_start3A_751 = arith.constant 0 : i32
    %dma_start3A_752 = tpu.memref_slice %arg6[%dma_start3A_747, %dma_start3A_751] : memref<4x128xi32, #tpu.memory_space<vmem>> -> memref<1x128xi32, #tpu.memory_space<vmem>>
    %dma_start3A_753 = tpu.memref_squeeze %dma_start3A_752 : memref<1x128xi32, #tpu.memory_space<vmem>> -> memref<128xi32, #tpu.memory_space<vmem>>
    %dma_start3A_754 = arith.constant 0 : i32
    %dma_start3A_755 = arith.constant 0 : i32
    %dma_start3A_756 = tpu.memref_slice %arg3[%dma_start3A_754, %dma_start3A_755] : memref<1000000x32xf32, #tpu.memory_space<hbm>> -> memref<1000000x32xf32, #tpu.memory_space<hbm>>
    tpu.enqueue_indirect_dma source(%dma_start3A_756 : memref<1000000x32xf32, #tpu.memory_space<hbm>>) target(%dma_start3A_750 : memref<128x32xf32, #tpu.memory_space<vmem>>) offsets(%dma_start3A_753 : memref<128xi32, #tpu.memory_space<vmem>>) semaphore(%arg8 : memref<!tpu.dma_semaphore, #tpu.memory_space<semaphore_mem>>)
    %dma_start3A_757 = arith.constant 2 : i32
    %dma_start3A_758 = arith.constant 256 : i32
    %dma_start3A_759 = arith.constant 0 : i32
    %dma_start3A_760 = tpu.memref_slice %arg7[%dma_start3A_758, %dma_start3A_759] : memref<512x32xf32, #tpu.memory_space<vmem>> -> memref<128x32xf32, #tpu.memory_space<vmem>>
    %dma_start3A_761 = arith.constant 0 : i32
    %dma_start3A_762 = tpu.memref_slice %arg6[%dma_start3A_757, %dma_start3A_761] : memref<4x128xi32, #tpu.memory_space<vmem>> -> memref<1x128xi32, #tpu.memory_space<vmem>>
    %dma_start3A_763 = tpu.memref_squeeze %dma_start3A_762 : memref<1x128xi32, #tpu.memory_space<vmem>> -> memref<128xi32, #tpu.memory_space<vmem>>
    %dma_start3A_764 = arith.constant 0 : i32
    %dma_start3A_765 = arith.constant 0 : i32
    %dma_start3A_766 = tpu.memref_slice %arg3[%dma_start3A_764, %dma_start3A_765] : memref<1000000x32xf32, #tpu.memory_space<hbm>> -> memref<1000000x32xf32, #tpu.memory_space<hbm>>
    tpu.enqueue_indirect_dma source(%dma_start3A_766 : memref<1000000x32xf32, #tpu.memory_space<hbm>>) target(%dma_start3A_760 : memref<128x32xf32, #tpu.memory_space<vmem>>) offsets(%dma_start3A_763 : memref<128xi32, #tpu.memory_space<vmem>>) semaphore(%arg8 : memref<!tpu.dma_semaphore, #tpu.memory_space<semaphore_mem>>)
    %dma_start3A_767 = arith.constant 3 : i32
    %dma_start3A_768 = arith.constant 384 : i32
    %dma_start3A_769 = arith.constant 0 : i32
    %dma_start3A_770 = tpu.memref_slice %arg7[%dma_start3A_768, %dma_start3A_769] : memref<512x32xf32, #tpu.memory_space<vmem>> -> memref<128x32xf32, #tpu.memory_space<vmem>>
    %dma_start3A_771 = arith.constant 0 : i32
    %dma_start3A_772 = tpu.memref_slice %arg6[%dma_start3A_767, %dma_start3A_771] : memref<4x128xi32, #tpu.memory_space<vmem>> -> memref<1x128xi32, #tpu.memory_space<vmem>>
    %dma_start3A_773 = tpu.memref_squeeze %dma_start3A_772 : memref<1x128xi32, #tpu.memory_space<vmem>> -> memref<128xi32, #tpu.memory_space<vmem>>
    %dma_start3A_774 = arith.constant 0 : i32
    %dma_start3A_775 = arith.constant 0 : i32
    %dma_start3A_776 = tpu.memref_slice %arg3[%dma_start3A_774, %dma_start3A_775] : memref<1000000x32xf32, #tpu.memory_space<hbm>> -> memref<1000000x32xf32, #tpu.memory_space<hbm>>
    tpu.enqueue_indirect_dma source(%dma_start3A_776 : memref<1000000x32xf32, #tpu.memory_space<hbm>>) target(%dma_start3A_770 : memref<128x32xf32, #tpu.memory_space<vmem>>) offsets(%dma_start3A_773 : memref<128xi32, #tpu.memory_space<vmem>>) semaphore(%arg8 : memref<!tpu.dma_semaphore, #tpu.memory_space<semaphore_mem>>)
    %dma_wait3A = arith.constant 0 : i32
    %dma_wait3A_777 = arith.constant 0 : i32
    %dma_wait3A_778 = arith.constant 0 : i32
    %dma_wait3A_779 = tpu.memref_slice %arg7[%dma_wait3A_777, %dma_wait3A_778] : memref<512x32xf32, #tpu.memory_space<vmem>> -> memref<128x32xf32, #tpu.memory_space<vmem>>
    %dma_wait3A_780 = arith.constant 0 : i32
    %dma_wait3A_781 = tpu.memref_slice %arg6[%dma_wait3A, %dma_wait3A_780] : memref<4x128xi32, #tpu.memory_space<vmem>> -> memref<1x128xi32, #tpu.memory_space<vmem>>
    %dma_wait3A_782 = tpu.memref_squeeze %dma_wait3A_781 : memref<1x128xi32, #tpu.memory_space<vmem>> -> memref<128xi32, #tpu.memory_space<vmem>>
    %dma_wait3A_783 = arith.constant 0 : i32
    %dma_wait3A_784 = arith.constant 0 : i32
    %dma_wait3A_785 = tpu.memref_slice %arg3[%dma_wait3A_783, %dma_wait3A_784] : memref<1000000x32xf32, #tpu.memory_space<hbm>> -> memref<1000000x32xf32, #tpu.memory_space<hbm>>
    tpu.wait_indirect_dma semaphore(%arg8 : memref<!tpu.dma_semaphore, #tpu.memory_space<semaphore_mem>>) src(%dma_wait3A_785 : memref<1000000x32xf32, #tpu.memory_space<hbm>>) dst(%dma_wait3A_779 : memref<128x32xf32, #tpu.memory_space<vmem>>)
    %dma_wait3A_786 = arith.constant 1 : i32
    %dma_wait3A_787 = arith.constant 128 : i32
    %dma_wait3A_788 = arith.constant 0 : i32
    %dma_wait3A_789 = tpu.memref_slice %arg7[%dma_wait3A_787, %dma_wait3A_788] : memref<512x32xf32, #tpu.memory_space<vmem>> -> memref<128x32xf32, #tpu.memory_space<vmem>>
    %dma_wait3A_790 = arith.constant 0 : i32
    %dma_wait3A_791 = tpu.memref_slice %arg6[%dma_wait3A_786, %dma_wait3A_790] : memref<4x128xi32, #tpu.memory_space<vmem>> -> memref<1x128xi32, #tpu.memory_space<vmem>>
    %dma_wait3A_792 = tpu.memref_squeeze %dma_wait3A_791 : memref<1x128xi32, #tpu.memory_space<vmem>> -> memref<128xi32, #tpu.memory_space<vmem>>
    %dma_wait3A_793 = arith.constant 0 : i32
    %dma_wait3A_794 = arith.constant 0 : i32
    %dma_wait3A_795 = tpu.memref_slice %arg3[%dma_wait3A_793, %dma_wait3A_794] : memref<1000000x32xf32, #tpu.memory_space<hbm>> -> memref<1000000x32xf32, #tpu.memory_space<hbm>>
    tpu.wait_indirect_dma semaphore(%arg8 : memref<!tpu.dma_semaphore, #tpu.memory_space<semaphore_mem>>) src(%dma_wait3A_795 : memref<1000000x32xf32, #tpu.memory_space<hbm>>) dst(%dma_wait3A_789 : memref<128x32xf32, #tpu.memory_space<vmem>>)
    %dma_wait3A_796 = arith.constant 2 : i32
    %dma_wait3A_797 = arith.constant 256 : i32
    %dma_wait3A_798 = arith.constant 0 : i32
    %dma_wait3A_799 = tpu.memref_slice %arg7[%dma_wait3A_797, %dma_wait3A_798] : memref<512x32xf32, #tpu.memory_space<vmem>> -> memref<128x32xf32, #tpu.memory_space<vmem>>
    %dma_wait3A_800 = arith.constant 0 : i32
    %dma_wait3A_801 = tpu.memref_slice %arg6[%dma_wait3A_796, %dma_wait3A_800] : memref<4x128xi32, #tpu.memory_space<vmem>> -> memref<1x128xi32, #tpu.memory_space<vmem>>
    %dma_wait3A_802 = tpu.memref_squeeze %dma_wait3A_801 : memref<1x128xi32, #tpu.memory_space<vmem>> -> memref<128xi32, #tpu.memory_space<vmem>>
    %dma_wait3A_803 = arith.constant 0 : i32
    %dma_wait3A_804 = arith.constant 0 : i32
    %dma_wait3A_805 = tpu.memref_slice %arg3[%dma_wait3A_803, %dma_wait3A_804] : memref<1000000x32xf32, #tpu.memory_space<hbm>> -> memref<1000000x32xf32, #tpu.memory_space<hbm>>
    tpu.wait_indirect_dma semaphore(%arg8 : memref<!tpu.dma_semaphore, #tpu.memory_space<semaphore_mem>>) src(%dma_wait3A_805 : memref<1000000x32xf32, #tpu.memory_space<hbm>>) dst(%dma_wait3A_799 : memref<128x32xf32, #tpu.memory_space<vmem>>)
    %dma_wait3A_806 = arith.constant 3 : i32
    %dma_wait3A_807 = arith.constant 384 : i32
    %dma_wait3A_808 = arith.constant 0 : i32
    %dma_wait3A_809 = tpu.memref_slice %arg7[%dma_wait3A_807, %dma_wait3A_808] : memref<512x32xf32, #tpu.memory_space<vmem>> -> memref<128x32xf32, #tpu.memory_space<vmem>>
    %dma_wait3A_810 = arith.constant 0 : i32
    %dma_wait3A_811 = tpu.memref_slice %arg6[%dma_wait3A_806, %dma_wait3A_810] : memref<4x128xi32, #tpu.memory_space<vmem>> -> memref<1x128xi32, #tpu.memory_space<vmem>>
    %dma_wait3A_812 = tpu.memref_squeeze %dma_wait3A_811 : memref<1x128xi32, #tpu.memory_space<vmem>> -> memref<128xi32, #tpu.memory_space<vmem>>
    %dma_wait3A_813 = arith.constant 0 : i32
    %dma_wait3A_814 = arith.constant 0 : i32
    %dma_wait3A_815 = tpu.memref_slice %arg3[%dma_wait3A_813, %dma_wait3A_814] : memref<1000000x32xf32, #tpu.memory_space<hbm>> -> memref<1000000x32xf32, #tpu.memory_space<hbm>>
    tpu.wait_indirect_dma semaphore(%arg8 : memref<!tpu.dma_semaphore, #tpu.memory_space<semaphore_mem>>) src(%dma_wait3A_815 : memref<1000000x32xf32, #tpu.memory_space<hbm>>) dst(%dma_wait3A_809 : memref<128x32xf32, #tpu.memory_space<vmem>>)
    "tpu.region"() ({
      %run_scoped3A = tpu.sem_alloc : memref<!tpu.dma_semaphore, #tpu.memory_space<semaphore_mem>>
      %dma_start3A_816 = arith.constant 0 : i32
      %dma_start3A_817 = tpu.memref_slice %arg4[%mul3A_2, %dma_start3A_816] : memref<16384x32xf32, #tpu.memory_space<hbm>> -> memref<512x32xf32, #tpu.memory_space<hbm>>
      %dma_start3A_818 = arith.constant 0 : i32
      %dma_start3A_819 = tpu.memref_slice %arg4[%mul3A_2, %dma_start3A_818] : memref<16384x32xf32, #tpu.memory_space<hbm>> -> memref<512x32xf32, #tpu.memory_space<hbm>>
      tpu.enqueue_dma source(%arg7 : memref<512x32xf32, #tpu.memory_space<vmem>>) target(%dma_start3A_819 : memref<512x32xf32, #tpu.memory_space<hbm>>) target_semaphore(%run_scoped3A : memref<!tpu.dma_semaphore, #tpu.memory_space<semaphore_mem>>)
      %dma_wait3A_820 = arith.constant 0 : i32
      %dma_wait3A_821 = tpu.memref_slice %arg4[%mul3A_2, %dma_wait3A_820] : memref<16384x32xf32, #tpu.memory_space<hbm>> -> memref<512x32xf32, #tpu.memory_space<hbm>>
      %dma_wait3A_822 = arith.constant 0 : i32
      %dma_wait3A_823 = tpu.memref_slice %arg4[%mul3A_2, %dma_wait3A_822] : memref<16384x32xf32, #tpu.memory_space<hbm>> -> memref<512x32xf32, #tpu.memory_space<hbm>>
      tpu.wait_dma2 semaphore(%run_scoped3A : memref<!tpu.dma_semaphore, #tpu.memory_space<semaphore_mem>>) src(%arg7 : memref<512x32xf32, #tpu.memory_space<vmem>>) dst(%dma_wait3A_823 : memref<512x32xf32, #tpu.memory_space<hbm>>)
      tpu.yield
    }) : () -> ()
    return
  }
}

</mosaic_0001>

<sc_bundles>
// kernel: _embed.3.cloned.1.call-start
scs
__scs_entry_jumppad:
0x0: {  	(pc) =	sbr.rel $0x88, $3  }
0x1: {  	(tag) =	ssettag $0x0;
	lr =	simm.s32 $0x1  }
0x2: {  	[smem:$0x3F9F] =	sst lr;
	_ =	strace $0xD0000000  }
0x3: {  	_ = 	snop  }
0x4: {  	_ = 	snop  }
0x5: {  	_ = 	snop  }
0x6: {  	_ = 	snop  }
0x7: {  	_ = 	snop  }
__scs_overlays_trampoline_lowered:
0x8: {  	[smem:$0x3FAE] =	sst s0  }
0x9: {  	[smem:$0x3FAF] =	sst s1  }
0xa: {  	[smem:$0x3FB0] =	sst s2  }
0xb: {  	[smem:$0x3FB1] =	sst s3  }
0xc: {  	[smem:$0x3FB2] =	sst s4  }
0xd: {  	[smem:$0x3FB3] =	sst s5  }
0xe: {  	[smem:$0x3FB4] =	sst s6  }
0xf: {  	[smem:$0x3FB5] =	sst s7  }
0x10: {  	[smem:$0x3FB6] =	sst s8  }
0x11: {  	[smem:$0x3FB7] =	sst s9;
	s0 =	simm.s32 @!p0 $0x0  }
0x12: {  	s1 =	sld [smem:$0x3F9D];
	s0 =	simm.s32 @p0 $0x1  }
0x13: {  	[smem:$0x3FB8] =	sst s0;
	s0 =	simm.s32 @!p1 $0x0  }
0x14: {  	s2 =	sld [smem:$0x3F9C];
	s0 =	simm.s32 @p1 $0x1  }
0x15: {  	[smem:$0x3FB9] =	sst s0;
	s0 =	simm.s32 @!p2 $0x0  }
0x16: {  	s3 =	sld [smem:$0x3FDB];
	s0 =	simm.s32 @p2 $0x1  }
0x17: {  	s4 =	simm.s32 $0x1BF5;
	[smem:$0x3FBB] =	sst s0  }
0x18: {  	s0 =	sld [smem:$0x3F9E];
	_ =	swait.ge [sflag:s4], $0x0  }
0x19: {  	s7 =	sld [smem:$0x3F9F]  }
0x1a: {  	s8 =	sadd.s32 $0xFFFFE003, lr  }
0x1b: {  	s9 =	sadd.s32 $0xFFFFFEF7, lr;
	s5 =	simm.s32 $0xFFFFFFFF;
	p2 =	slt.u32 s8, $0xFFFFF086  }
0x1c: {  	p1 =	slt.u32 s9, $0xF7A;
	s5 =	simm.s32 @!p2 $0x0  }
0x1d: {  	s5 =	simm.s32 @p1 $0x1;
	p0 =	seq.s32 s7, s2  }
0x1e: {  	s7 =	smul.u32 @!p0 $0xF7A, s2;
	p2 =	seq.s32 @!p0 s5, $0x0  }
0x1f: {  	s9 =	smul.u32 $0xF7A, s1;
	s8 =	simm.s32 @!p0 $0x1BF5;
	p2 =	por !p2, p0  }
0x20: {  	[sflag:s8] =	ssyncset.s32 @!p0 $0xFFFFF086;
	s6 =	sadd.s32 @!p0 s3, s7;
	s7 =	simm.s32 @!p0 $0x108  }
0x21: {  	s3 =	sadd.s32 s3, s9;
	s6 =	sadd.s32 @!p0 $0x88, s6;
	s7 =	simm.s32 @p2 $0x1082  }
0x22: {  	[simem:s7], [sflag:s8] =	dma.local @!p0 [hbm:s6], $0xF7A  }
0x23: {  	s9 =	sor.u32 $0xD0000000, s2;
	s6 =	simm.s32 $0x108;
	_ =	swait.ge @!p0 [sflag:s8], $0x0  }
0x24: {  	s3 =	sadd.s32 $0x88, s3;
	s6 =	simm.s32 @!p1 $0x1082;
	[sflag:s4] =	ssyncset.s32 $0xFFFFF086  }
0x25: {  	[simem:s6], [sflag:s4] =	dma.local [hbm:s3], $0xF7A  }
0x26: {  	[smem:$0x3F9F] =	sst s1;
	(tag) =	ssettag s2;
	_ =	strace s9  }
0x27: {  	s1 =	sld [smem:$0x3FAF]  }
0x28: {  	s2 =	sld [smem:$0x3FB0]  }
0x29: {  	s4 =	sld [smem:$0x3FB2]  }
0x2a: {  	p0 =	seq.s32 s5, $0x0;
	s5 =	sld [smem:$0x3FB3]  }
0x2b: {  	s6 =	sld [smem:$0x3FB4]  }
0x2c: {  	s7 =	sld [smem:$0x3FB5]  }
0x2d: {  	s3 =	simm.s32 $0x108;
	s8 =	sld [smem:$0x3FB6]  }
0x2e: {  	s3 =	simm.s32 @!p0 $0x1082;
	s9 =	sld [smem:$0x3FB7]  }
0x2f: {  	lr =	sadd.s32 s0, s3;
	s0 =	sld [smem:$0x3FAE]  }
0x30: {  	s3 =	sld [smem:$0x3FB1]  }
0x31: {  	[smem:$0x3FBA] =	sst s10  }
0x32: {  	s10 =	sld [smem:$0x3FB8];
	_ =	sdelay $0x3  }
0x33: {  	p0 =	seq.s32 s10, $0x1;
	s10 =	sld [smem:$0x3FBA];
	_ =	sdelay $0x3  }
0x34: {  	[smem:$0x3FBA] =	sst s10  }
0x35: {  	s10 =	sld [smem:$0x3FB9];
	_ =	sdelay $0x3  }
0x36: {  	p1 =	seq.s32 s10, $0x1;
	s10 =	sld [smem:$0x3FBA];
	_ =	sdelay $0x3  }
0x37: {  	[smem:$0x3FBA] =	sst s10  }
0x38: {  	s10 =	sld [smem:$0x3FBB]  }
0x39: {  	_ = 	snop;
	(pc) =	sbr.ind lr, $3  }
0x3a: {  	_ = 	snop  }
0x3b: {  	_ = 	snop  }
0x3c: {  	p2 =	seq.s32 s10, $0x1;
	s10 =	sld [smem:$0x3FBA]  }
0x3d: {  	_ =	shalt  }
0x3e: {  	_ =	shalt  }
0x3f: {  	_ =	shalt  }
0x40: {  	_ =	shalt  }
0x41: {  	_ =	shalt  }
0x42: {  	_ =	shalt  }
0x43: {  	_ =	shalt  }
0x44: {  	_ =	shalt  }
0x45: {  	_ =	shalt  }
0x46: {  	_ =	shalt  }
0x47: {  	_ =	shalt  }
0x48: {  	_ =	shalt  }
0x49: {  	_ =	shalt  }
0x4a: {  	_ =	shalt  }
0x4b: {  	_ =	shalt  }
0x4c: {  	_ =	shalt  }
0x4d: {  	_ =	shalt  }
0x4e: {  	_ =	shalt  }
0x4f: {  	_ =	shalt  }
0x50: {  	_ =	shalt  }
0x51: {  	_ =	shalt  }
0x52: {  	_ =	shalt  }
0x53: {  	_ =	shalt  }
0x54: {  	_ =	shalt  }
0x55: {  	_ =	shalt  }
0x56: {  	_ =	shalt  }
0x57: {  	_ =	shalt  }
0x58: {  	_ =	shalt  }
0x59: {  	_ =	shalt  }
0x5a: {  	_ =	shalt  }
0x5b: {  	_ =	shalt  }
0x5c: {  	_ =	shalt  }
0x5d: {  	_ =	shalt  }
0x5e: {  	_ =	shalt  }
0x5f: {  	_ =	shalt  }
0x60: {  	_ =	shalt  }
0x61: {  	_ =	shalt  }
0x62: {  	_ =	shalt  }
0x63: {  	_ =	shalt  }
0x64: {  	_ =	shalt  }
0x65: {  	_ =	shalt  }
0x66: {  	_ =	shalt  }
0x67: {  	_ =	shalt  }
0x68: {  	_ =	shalt  }
0x69: {  	_ =	shalt  }
0x6a: {  	_ =	shalt  }
0x6b: {  	_ =	shalt  }
0x6c: {  	_ =	shalt  }
0x6d: {  	_ =	shalt  }
0x6e: {  	_ =	shalt  }
0x6f: {  	_ =	shalt  }
0x70: {  	_ =	shalt  }
0x71: {  	_ =	shalt  }
0x72: {  	_ =	shalt  }
0x73: {  	_ =	shalt  }
0x74: {  	_ =	shalt  }
0x75: {  	_ =	shalt  }
0x76: {  	_ =	shalt  }
0x77: {  	_ =	shalt  }
0x78: {  	_ =	shalt  }
0x79: {  	_ =	shalt  }
0x7a: {  	_ =	shalt  }
0x7b: {  	_ =	shalt  }
0x7c: {  	_ =	shalt  }
0x7d: {  	_ =	shalt  }
0x7e: {  	_ =	shalt  }
0x7f: {  	_ =	shalt  }
0x80: {  	_ =	shalt  }
0x81: {  	_ =	shalt  }
0x82: {  	_ =	shalt  }
0x83: {  	_ =	shalt  }
0x84: {  	_ =	shalt  }
0x85: {  	_ =	shalt  }
0x86: {  	_ =	shalt  }
0x87: {  	_ =	shalt  }
.Lfunc_end0:
.L_simem_size_0:
called_computation_lowered:
.L_overlay_start_0:
0x88: {  	s2 =	sld [smem:$0x3FD9]  }
0x89: {  	s3 =	sld [smem:$0x3FFE];
	_ =	sdelay $0x1  }
0x8a: {  	s1 =	srdreg.scid  }
0x8b: {  	s0 =	sand.u32 $0x1, s1  }
0x8c: {  	s17 =	sshll.u32 s0, $0xA;
	s2 =	sadd.s32 s3, s2  }
0x8d: {  	s2 =	sadd.s32 s2, s17  }
0x8e: {  	[smem:$0x3FC6] =	sst s2  }
0x8f: {  	_ = 	snop  }
0x90: {  	s2 =	sld [smem:$0x3FC9]  }
0x91: {  	s18 =	sld [smem:$0x3FD0];
	(tm) =	ssettm $0x1  }
0x92: {  	s4 =	sld [smem:$0x3FFB];
	_ =	sdelay $0x3  }
0x93: {  	_ =	strace s4  }
0x94: {  	s4 =	sld [smem:$0x3FFC];
	_ =	sdelay $0x3  }
0x95: {  	_ =	strace s4  }
0x96: {  	s4 =	sld [smem:$0x3FFD];
	_ =	sdelay $0x3  }
0x97: {  	_ =	strace s4  }
0x98: {  	_ =	strace $0x8FFFFFFF  }
0x99: {  	s19 =	sld [smem:$0x3FDB];
	_ =	sdelay $0x1  }
0x9a: {  	s5 =	simm.s32 $_scs_section_size  }
0x9b: {  	s6 =	simm.s32 $_size__tile_overlayer_lowered;
	s7 =	simm.s32 $_tile_overlayer_lowered  }
0x9c: {  	s22 =	simm.s32 $0x1BFF;
	s21 =	sshll.u32 s7, $0x1;
	s4 =	sadd.s32 s5, s19  }
0x9d: {  	s8 =	simm.s32 $0x0;
	s20 =	sshll.u32 s6, $0x1;
	s6 =	sadd.s32 s21, s4  }
0x9e: {  	[timem:s8], [sflag:s22] =	dma.local [hbm:s6], s20  }
0x9f: {  	_ =	swait.ge [sflag:s22], s20  }
0xa0: {  	s5 =	ssub.s32 $0x0, s20;
	[sflag:s22] =	ssyncset.done $0x0  }
0xa1: {  	[sflag:s22] =	ssyncadd.s32 s5;
	_ =	sdelay $0x1  }
0xa2: {  	s23 =	simm.s32 $0x1B8B  }
0xa3: {  	_ =	swait.ge [sflag:s23], $0x1  }
0xa4: {  	[sflag:s23] =	ssyncset.done $0x0  }
0xa5: {  	s25 =	simm.s32 $0x1B8E;
	s24 =	sld [smem:$0x3FFE];
	[sflag:s23] =	ssyncadd.s32 $0xFFFFFFFF  }
0xa6: {  	s26 =	simm.s32 $execute0_lowered;
	[smem:$0x3FD2] =	sst s25  }
0xa7: {  	s6 =	sshll.u32 s26, $0x1;
	_ =	strace $0x80000046;
	[dreg:$0x1] =	wrdreg $0xFFFFFFFF  }
0xa8: {  	s28 =	simm.s32 $_size_execute0_lowered;
	s4 =	sadd.s32 s4, s6;
	[dreg:$0x0] =	wrdreg $0x0  }
0xa9: {  	s6 =	sshll.u32 s28, $0x1;
	[dreg:$0x2] =	wrdreg s4  }
0xaa: {  	[dreg:$0x3] =	wrdreg s6  }
0xab: {  	[dreg:$0x4] =	wrdreg $0xC0  }
0xac: {  	_ =	task [dreg:s8], $0x5FFFF  }
0xad: {  	[dreg:$0x1] =	wrdreg $0xFFFFFFFF  }
0xae: {  	[dreg:$0x0] =	wrdreg $0x60  }
0xaf: {  	[dreg:$0x2] =	wrdreg s2  }
0xb0: {  	[dreg:$0x3] =	wrdreg s24  }
0xb1: {  	[dreg:$0x4] =	wrdreg s18  }
0xb2: {  	[dreg:$0x5] =	wrdreg $0x9  }
0xb3: {  	_ =	task.clear_ibuf [dreg:s8], $0x6FFFF;
	_ =	strace $0x90000046  }
0xb4: {  	s29 =	simm.s32 $0x9;
	_ =	strace $0x80000048  }
0xb5: {  	_ =	swait.ge [sflag:s29], $0x1  }
0xb6: {  	[sflag:s29] =	ssyncadd.s32 $0xFFFFFFFF  }
0xb7: {  	_ =	strace $0x90000048  }
0xb8: {  	_ =	sfence  }
0xb9: {  	s30 =	sld [smem:$0x0];
	_ =	sdelay $0x2  }
0xba: {  	s31 =	sshll.u32 s1, $0xD;
	s1 =	sshrl.u32 s1, $0x2  }
0xbb: {  	s3 =	sand.u32 $0x4000, s31;
	s1 =	sadd.s32 s1, s30  }
0xbc: {  	s0 =	sor.u32 s3, s0;
	s1 =	sshll.u32 s1, $0x11  }
0xbd: {  	s0 =	sor.u32 s1, s0  }
0xbe: {  	s0 =	sadd.s32 $0x8F2B, s0  }
0xbf: {  	[sflag:s0] =	ssyncadd.remote.s32 $0x1  }
0xc0: {  	_ =	sfence.sel $0xFFFF  }
0xc1: {  	[dreg:$0x0] =	wrdreg $0xFFFFFFFF;
	(pc) =	sbr.abs _section_cstart, $3  }
0xc2: {  	[dreg:$0x1] =	wrdreg $0xFFFFFFFF  }
0xc3: {  	_ =	task.clear_ibuf [dreg:s8], $0x2FFFF;
	_ =	strace $0x9FFFFFFF  }
0xc4: {  	(tm) =	ssettm $0x7FFFFFFF  }
0xc5: {  	_ =	shalt  }
tec
execute0_lowered:
.L_overlay_start_1:
0x0: {  	(tag) =	ssettag $0x1  }
0x1: {  	s1 =	rddreg [dreg:$0x0]  }
0x2: {  	s5 =	rddreg [dreg:$0x1]  }
0x3: {  	s6 =	rddreg [dreg:$0x2]  }
0x4: {  	s0 =	rddreg [dreg:$0x3];
	s4 =	srdreg.scid  }
0x5: {  	s3 =	simm.s32 $0x0;
	s2 =	stileid.u32;
	s10 =	simm.s32 $0x4000  }
0x6: {  	s11 =	simm.s32 $0x4200;
	s12 =	simm.s32 $0x4080;
	s13 =	simm.s32 $0x5200  }
0x7: {  	s14 =	simm.s32 $0x4100;
	s15 =	simm.s32 $0x6200;
	s16 =	simm.s32 $0x4180  }
0x8: {  	s17 =	simm.s32 $0x7200;
	s18 =	simm.s32 $0x1;
	s19 =	simm.s32 $0x0  }
0x9: {  	s4 =	sand.u32 $0x1, s4;
	s8 =	sshll.u32 s2, $0xA;
	[smem:$0x7FF] =	sst s3  }
0xa: {  	s5 =	sadd.s32 $0xF42800, s5;
	s7 =	ssub.s32 $0x2, s4;
	s4 =	sshll.u32 s4, $0x9  }
0xb: {  	_ =	strace $0x80000047;
	s9 =	sshrl.u32 s7, $0x1;
	s4 =	sor.u32 s4, s8  }
0xc: {  	s7 =	ssub.s32 s7, s9;
	s8 =	sshll.u32 s4, $0x2;
	s9 =	simm.s32 $0x80  }
0xd: {  	s6 =	sadd.s32 s6, s8;
	s7 =	smax.u32 s7, $0x1;
	s8 =	simm.s32 $0x2  }
.LBB2_1:
0xe: {  	[tilespmem:s3], [sflag:$0x2] =	stream.linear.gather [hbm4b:s1+s3], $0x4000, $0x38;
	[tilespmem:$0x8200] =	vst v63  }
0xf: {  	_ =	swait.ge [sflag:s8], $0x4000  }
0x10: {  	[sflag:s8] =	ssyncset.done $0x0  }
0x11: {  	[sflag:s8] =	ssyncadd.s32 $0xFFFFC000  }
0x12: {  	v0 =	vld [tilespmem:$0x0];
	_ =	sdelay $0x3  }
0x13: {  	s21 =	simm.s32 $0x10  }
0x14: {  	s20 =	simm.s32 $0x80;
	v1 =	vld [tilespmem:s21+$0x0];
	v2 =	vmov v0  }
.LBB2_2:
0x15: {  	p0 =	sne.s32 s20, $0xFFC0  }
.Ltmp0:
0x16: {  	_ = 	snop;
	(pc) =	sbr.rel @p0 .LBB2_2-.Ltmp0, $3  }
0x17: {  	_ =	sdelay $0x1  }
0x18: {  	s21 =	sshra.s32 s20, $0x2;
	s20 =	sadd.s32 $0x40, s20;
	vm0 =	vlt.s32 v0, v1;
	vm1 =	vgt.s32 v2, v1  }
0x19: {  	v0 =	vsel vm0, v0, v1;
	v2 =	vsel vm1, v2, v1;
	v1 =	vld [tilespmem:s21+$0x0]  }
0x1a: {  	_ =	sdelay $0x3  }
0x1b: {  	vm0 =	vlt.s32 v0, v1  }
0x1c: {  	vm1 =	vgt.s32 v2, v1;
	v0 =	vsel vm0, v0, v1  }
0x1d: {  	v58 =	vsel vm1, v2, v1;
	(v2sf) =	vpush v0, $0x0  }
0x1e: {  	(v2sf) =	vpush v58, $0x0  }
0x1f: {  	(v2sf) =	vpush v0, $0x1  }
0x20: {  	(v2sf) =	vpush v58, $0x1  }
0x21: {  	(v2sf) =	vpush v0, $0x2  }
0x22: {  	(v2sf) =	vpush v58, $0x2  }
0x23: {  	(v2sf) =	vpush v0, $0x3  }
0x24: {  	(v2sf) =	vpush v58, $0x3  }
0x25: {  	(v2sf) =	vpush v0, $0x4  }
0x26: {  	(v2sf) =	vpush v58, $0x4  }
0x27: {  	(v2sf) =	vpush v0, $0x5  }
0x28: {  	(v2sf) =	vpush v58, $0x5  }
0x29: {  	(v2sf) =	vpush v0, $0x6  }
0x2a: {  	(v2sf) =	vpush v58, $0x6  }
0x2b: {  	(v2sf) =	vpush v0, $0x7  }
0x2c: {  	s20 =	spop (v2sf);
	(v2sf) =	vpush v58, $0x7  }
0x2d: {  	s21 =	spop (v2sf);
	(v2sf) =	vpush v0, $0x8  }
0x2e: {  	s22 =	spop (v2sf);
	(v2sf) =	vpush v58, $0x8  }
0x2f: {  	p0 =	slt.s32 s20, s22;
	s23 =	spop (v2sf);
	(v2sf) =	vpush v0, $0x9  }
0x30: {  	s22 =	smov.u32 @p0 s20;
	p0 =	sgt.s32 s21, s23;
	s20 =	spop (v2sf);
	(v2sf) =	vpush v58, $0x9  }
0x31: {  	s23 =	smov.u32 @p0 s21;
	p0 =	slt.s32 s22, s20;
	s21 =	spop (v2sf);
	(v2sf) =	vpush v0, $0xA  }
0x32: {  	s20 =	smov.u32 @p0 s22;
	p0 =	sgt.s32 s23, s21;
	s22 =	spop (v2sf);
	(v2sf) =	vpush v58, $0xA  }
0x33: {  	s21 =	smov.u32 @p0 s23;
	p0 =	slt.s32 s20, s22;
	s23 =	spop (v2sf);
	(v2sf) =	vpush v0, $0xB  }
0x34: {  	s22 =	smov.u32 @p0 s20;
	p0 =	sgt.s32 s21, s23;
	s20 =	spop (v2sf);
	(v2sf) =	vpush v58, $0xB  }
0x35: {  	s23 =	smov.u32 @p0 s21;
	p0 =	slt.s32 s22, s20;
	s21 =	spop (v2sf);
	(v2sf) =	vpush v0, $0xC  }
0x36: {  	s20 =	smov.u32 @p0 s22;
	p0 =	sgt.s32 s23, s21;
	s22 =	spop (v2sf);
	(v2sf) =	vpush v58, $0xC  }
0x37: {  	s21 =	smov.u32 @p0 s23;
	p0 =	slt.s32 s20, s22;
	s23 =	spop (v2sf);
	(v2sf) =	vpush v0, $0xD  }
0x38: {  	s22 =	smov.u32 @p0 s20;
	p0 =	sgt.s32 s21, s23;
	s20 =	spop (v2sf);
	(v2sf) =	vpush v58, $0xD  }
0x39: {  	s23 =	smov.u32 @p0 s21;
	p0 =	slt.s32 s22, s20;
	s21 =	spop (v2sf);
	(v2sf) =	vpush v0, $0xE  }
0x3a: {  	s20 =	smov.u32 @p0 s22;
	p0 =	sgt.s32 s23, s21;
	s22 =	spop (v2sf);
	(v2sf) =	vpush v58, $0xE  }
0x3b: {  	s21 =	smov.u32 @p0 s23;
	p0 =	slt.s32 s20, s22;
	s23 =	spop (v2sf);
	(v2sf) =	vpush v0, $0xF  }
0x3c: {  	s22 =	smov.u32 @p0 s20;
	p0 =	sgt.s32 s21, s23;
	s20 =	spop (v2sf);
	(v2sf) =	vpush v58, $0xF  }
0x3d: {  	s23 =	smov.u32 @p0 s21;
	s21 =	spop (v2sf);
	p0 =	slt.s32 s22, s20  }
0x3e: {  	s20 =	smov.u32 @p0 s22;
	s22 =	spop (v2sf);
	p0 =	sgt.s32 s23, s21  }
0x3f: {  	s21 =	smov.u32 @p0 s23;
	s23 =	spop (v2sf);
	p0 =	slt.s32 s20, s22  }
0x40: {  	s22 =	smov.u32 @p0 s20;
	s20 =	spop (v2sf);
	p0 =	sgt.s32 s21, s23  }
0x41: {  	s23 =	smov.u32 @p0 s21;
	s21 =	spop (v2sf);
	p0 =	slt.s32 s22, s20  }
0x42: {  	s20 =	smov.u32 @p0 s22;
	s22 =	spop (v2sf);
	p0 =	sgt.s32 s23, s21  }
0x43: {  	s21 =	smov.u32 @p0 s23;
	s23 =	spop (v2sf);
	p0 =	slt.s32 s20, s22  }
0x44: {  	s22 =	smov.u32 @p0 s20;
	s20 =	spop (v2sf);
	p0 =	sgt.s32 s21, s23  }
0x45: {  	s23 =	smov.u32 @p0 s21;
	s21 =	spop (v2sf);
	p0 =	slt.s32 s22, s20  }
0x46: {  	s20 =	smov.u32 @p0 s22;
	s22 =	spop (v2sf);
	p0 =	sgt.s32 s23, s21  }
0x47: {  	s21 =	smov.u32 @p0 s23;
	s23 =	spop (v2sf);
	p0 =	slt.s32 s20, s22  }
0x48: {  	s22 =	smov.u32 @p0 s20;
	s20 =	spop (v2sf);
	p0 =	sgt.s32 s21, s23  }
0x49: {  	s23 =	smov.u32 @p0 s21;
	s21 =	spop (v2sf);
	p0 =	slt.s32 s22, s20  }
0x4a: {  	s20 =	smov.u32 @p0 s22;
	s22 =	spop (v2sf);
	p0 =	sgt.s32 s23, s21  }
0x4b: {  	s21 =	smov.u32 @p0 s23;
	s23 =	spop (v2sf)  }
0x4c: {  	p0 =	slt.s32 s20, s22;
	p1 =	sgt.s32 s21, s23  }
0x4d: {  	s22 =	smov.u32 @p0 s20;
	s23 =	smov.u32 @p1 s21  }
0x4e: {  	s20 =	ssub.s32 s23, s22  }
0x4f: {  	s20 =	scvt.s32.f32 s20;
	_ =	sdelay $0x1  }
0x50: {  	v59 =	vmov s20  }
0x51: {  	(erf) = vrcp.f32 v59;
	_ =	sdelay $0x1  }
0x52: {  	v60 =	vld [tilespmem:s4+$0x0];
	_ =	sdelay $0x3  }
0x53: {  	v61 =	vmov s22  }
0x54: {  	v1 =	vsub.s32 v60, v61  }
0x55: {  	v62 =	vcvt.s32.f32 v1  }
0x56: {  	v63 =	vpop (erf)  }
0x57: {  	v2 =	vmul.f32 v62, v63;
	_ =	sdelay $0x1  }
0x58: {  	v2 =	vmul.f32 $1.638300000e+04, v2;
	_ =	sdelay $0x1  }
0x59: {  	v2 =	vtrunc.f32 v2  }
0x5a: {  	v2 =	vcvt.f32.s32 v2;
	_ =	sdelay $0x1  }
0x5b: {  	[tilespmem:$0x4000] =	vst v2  }
0x5c: {  	v2 =	vld [tilespmem:s4+$0x10];
	_ =	sdelay $0x4  }
0x5d: {  	v2 =	vsub.s32 v2, v61  }
0x5e: {  	v2 =	vcvt.s32.f32 v2;
	_ =	sdelay $0x1  }
0x5f: {  	v2 =	vmul.f32 v2, v63;
	_ =	sdelay $0x1  }
0x60: {  	v2 =	vmul.f32 $1.638300000e+04, v2;
	_ =	sdelay $0x1  }
0x61: {  	v2 =	vtrunc.f32 v2  }
0x62: {  	v2 =	vcvt.f32.s32 v2;
	_ =	sdelay $0x1  }
0x63: {  	[tilespmem:$0x4010] =	vst v2  }
0x64: {  	v2 =	vld [tilespmem:s4+$0x20];
	_ =	sdelay $0x4  }
0x65: {  	v2 =	vsub.s32 v2, v61  }
0x66: {  	v2 =	vcvt.s32.f32 v2;
	_ =	sdelay $0x1  }
0x67: {  	v2 =	vmul.f32 v2, v63;
	_ =	sdelay $0x1  }
0x68: {  	v2 =	vmul.f32 $1.638300000e+04, v2;
	_ =	sdelay $0x1  }
0x69: {  	v2 =	vtrunc.f32 v2  }
0x6a: {  	v2 =	vcvt.f32.s32 v2;
	_ =	sdelay $0x1  }
0x6b: {  	[tilespmem:$0x4020] =	vst v2  }
0x6c: {  	v2 =	vld [tilespmem:s4+$0x30];
	_ =	sdelay $0x4  }
0x6d: {  	v2 =	vsub.s32 v2, v61  }
0x6e: {  	v2 =	vcvt.s32.f32 v2;
	_ =	sdelay $0x1  }
0x6f: {  	v2 =	vmul.f32 v2, v63;
	_ =	sdelay $0x1  }
0x70: {  	v2 =	vmul.f32 $1.638300000e+04, v2;
	_ =	sdelay $0x1  }
0x71: {  	v2 =	vtrunc.f32 v2  }
0x72: {  	v2 =	vcvt.f32.s32 v2;
	_ =	sdelay $0x1  }
0x73: {  	[tilespmem:$0x4030] =	vst v2  }
0x74: {  	v2 =	vld [tilespmem:s4+$0x40];
	_ =	sdelay $0x4  }
0x75: {  	v2 =	vsub.s32 v2, v61  }
0x76: {  	v2 =	vcvt.s32.f32 v2;
	_ =	sdelay $0x1  }
0x77: {  	v2 =	vmul.f32 v2, v63;
	_ =	sdelay $0x1  }
0x78: {  	v2 =	vmul.f32 $1.638300000e+04, v2;
	_ =	sdelay $0x1  }
0x79: {  	v2 =	vtrunc.f32 v2  }
0x7a: {  	v2 =	vcvt.f32.s32 v2;
	_ =	sdelay $0x1  }
0x7b: {  	[tilespmem:$0x4040] =	vst v2  }
0x7c: {  	v2 =	vld [tilespmem:s4+$0x50];
	_ =	sdelay $0x4  }
0x7d: {  	v2 =	vsub.s32 v2, v61  }
0x7e: {  	v2 =	vcvt.s32.f32 v2;
	_ =	sdelay $0x1  }
0x7f: {  	v2 =	vmul.f32 v2, v63;
	_ =	sdelay $0x1  }
0x80: {  	v2 =	vmul.f32 $1.638300000e+04, v2;
	_ =	sdelay $0x1  }
0x81: {  	v2 =	vtrunc.f32 v2  }
0x82: {  	v2 =	vcvt.f32.s32 v2;
	_ =	sdelay $0x1  }
0x83: {  	[tilespmem:$0x4050] =	vst v2  }
0x84: {  	v2 =	vld [tilespmem:s4+$0x60];
	_ =	sdelay $0x4  }
0x85: {  	v2 =	vsub.s32 v2, v61  }
0x86: {  	v2 =	vcvt.s32.f32 v2;
	_ =	sdelay $0x1  }
0x87: {  	v2 =	vmul.f32 v2, v63;
	_ =	sdelay $0x1  }
0x88: {  	v2 =	vmul.f32 $1.638300000e+04, v2;
	_ =	sdelay $0x1  }
0x89: {  	v2 =	vtrunc.f32 v2  }
0x8a: {  	v2 =	vcvt.f32.s32 v2;
	_ =	sdelay $0x1  }
0x8b: {  	[tilespmem:$0x4060] =	vst v2  }
0x8c: {  	v2 =	vld [tilespmem:s4+$0x70];
	_ =	sdelay $0x4  }
0x8d: {  	v2 =	vsub.s32 v2, v61  }
0x8e: {  	v2 =	vcvt.s32.f32 v2;
	_ =	sdelay $0x1  }
0x8f: {  	v2 =	vmul.f32 v2, v63;
	_ =	sdelay $0x1  }
0x90: {  	v2 =	vmul.f32 $1.638300000e+04, v2;
	_ =	sdelay $0x1  }
0x91: {  	v2 =	vtrunc.f32 v2  }
0x92: {  	v2 =	vcvt.f32.s32 v2;
	_ =	sdelay $0x1  }
0x93: {  	[tilespmem:$0x4070] =	vst v2  }
0x94: {  	v2 =	vld [tilespmem:s4+$0x80];
	_ =	sdelay $0x4  }
0x95: {  	v2 =	vsub.s32 v2, v61  }
0x96: {  	v2 =	vcvt.s32.f32 v2;
	_ =	sdelay $0x1  }
0x97: {  	v2 =	vmul.f32 v2, v63;
	_ =	sdelay $0x1  }
0x98: {  	v2 =	vmul.f32 $1.638300000e+04, v2;
	_ =	sdelay $0x1  }
0x99: {  	v2 =	vtrunc.f32 v2  }
0x9a: {  	v2 =	vcvt.f32.s32 v2;
	_ =	sdelay $0x1  }
0x9b: {  	[tilespmem:$0x4080] =	vst v2  }
0x9c: {  	v2 =	vld [tilespmem:s4+$0x90];
	_ =	sdelay $0x4  }
0x9d: {  	v2 =	vsub.s32 v2, v61  }
0x9e: {  	v2 =	vcvt.s32.f32 v2;
	_ =	sdelay $0x1  }
0x9f: {  	v2 =	vmul.f32 v2, v63;
	_ =	sdelay $0x1  }
0xa0: {  	v2 =	vmul.f32 $1.638300000e+04, v2;
	_ =	sdelay $0x1  }
0xa1: {  	v2 =	vtrunc.f32 v2  }
0xa2: {  	v2 =	vcvt.f32.s32 v2;
	_ =	sdelay $0x1  }
0xa3: {  	[tilespmem:$0x4090] =	vst v2  }
0xa4: {  	v2 =	vld [tilespmem:s4+$0xA0];
	_ =	sdelay $0x4  }
0xa5: {  	v2 =	vsub.s32 v2, v61  }
0xa6: {  	v2 =	vcvt.s32.f32 v2;
	_ =	sdelay $0x1  }
0xa7: {  	v2 =	vmul.f32 v2, v63;
	_ =	sdelay $0x1  }
0xa8: {  	v2 =	vmul.f32 $1.638300000e+04, v2;
	_ =	sdelay $0x1  }
0xa9: {  	v2 =	vtrunc.f32 v2  }
0xaa: {  	v2 =	vcvt.f32.s32 v2;
	_ =	sdelay $0x1  }
0xab: {  	[tilespmem:$0x40A0] =	vst v2  }
0xac: {  	v2 =	vld [tilespmem:s4+$0xB0];
	_ =	sdelay $0x4  }
0xad: {  	v2 =	vsub.s32 v2, v61  }
0xae: {  	v2 =	vcvt.s32.f32 v2;
	_ =	sdelay $0x1  }
0xaf: {  	v2 =	vmul.f32 v2, v63;
	_ =	sdelay $0x1  }
0xb0: {  	v2 =	vmul.f32 $1.638300000e+04, v2;
	_ =	sdelay $0x1  }
0xb1: {  	v2 =	vtrunc.f32 v2  }
0xb2: {  	v2 =	vcvt.f32.s32 v2;
	_ =	sdelay $0x1  }
0xb3: {  	[tilespmem:$0x40B0] =	vst v2  }
0xb4: {  	v2 =	vld [tilespmem:s4+$0xC0];
	_ =	sdelay $0x4  }
0xb5: {  	v2 =	vsub.s32 v2, v61  }
0xb6: {  	v2 =	vcvt.s32.f32 v2;
	_ =	sdelay $0x1  }
0xb7: {  	v2 =	vmul.f32 v2, v63;
	_ =	sdelay $0x1  }
0xb8: {  	v2 =	vmul.f32 $1.638300000e+04, v2;
	_ =	sdelay $0x1  }
0xb9: {  	v2 =	vtrunc.f32 v2  }
0xba: {  	v2 =	vcvt.f32.s32 v2;
	_ =	sdelay $0x1  }
0xbb: {  	[tilespmem:$0x40C0] =	vst v2  }
0xbc: {  	v2 =	vld [tilespmem:s4+$0xD0];
	_ =	sdelay $0x4  }
0xbd: {  	v2 =	vsub.s32 v2, v61  }
0xbe: {  	v2 =	vcvt.s32.f32 v2;
	_ =	sdelay $0x1  }
0xbf: {  	v2 =	vmul.f32 v2, v63;
	_ =	sdelay $0x1  }
0xc0: {  	v2 =	vmul.f32 $1.638300000e+04, v2;
	_ =	sdelay $0x1  }
0xc1: {  	v2 =	vtrunc.f32 v2  }
0xc2: {  	v2 =	vcvt.f32.s32 v2;
	_ =	sdelay $0x1  }
0xc3: {  	[tilespmem:$0x40D0] =	vst v2  }
0xc4: {  	v2 =	vld [tilespmem:s4+$0xE0];
	_ =	sdelay $0x4  }
0xc5: {  	v2 =	vsub.s32 v2, v61  }
0xc6: {  	v2 =	vcvt.s32.f32 v2;
	_ =	sdelay $0x1  }
0xc7: {  	v2 =	vmul.f32 v2, v63;
	_ =	sdelay $0x1  }
0xc8: {  	v2 =	vmul.f32 $1.638300000e+04, v2;
	_ =	sdelay $0x1  }
0xc9: {  	v2 =	vtrunc.f32 v2  }
0xca: {  	v2 =	vcvt.f32.s32 v2;
	_ =	sdelay $0x1  }
0xcb: {  	[tilespmem:$0x40E0] =	vst v2  }
0xcc: {  	v2 =	vld [tilespmem:s4+$0xF0];
	_ =	sdelay $0x4  }
0xcd: {  	v2 =	vsub.s32 v2, v61  }
0xce: {  	v2 =	vcvt.s32.f32 v2;
	_ =	sdelay $0x1  }
0xcf: {  	v2 =	vmul.f32 v2, v63;
	_ =	sdelay $0x1  }
0xd0: {  	v2 =	vmul.f32 $1.638300000e+04, v2;
	_ =	sdelay $0x1  }
0xd1: {  	v2 =	vtrunc.f32 v2  }
0xd2: {  	v2 =	vcvt.f32.s32 v2;
	_ =	sdelay $0x1  }
0xd3: {  	[tilespmem:$0x40F0] =	vst v2  }
0xd4: {  	v2 =	vld [tilespmem:s4+$0x100];
	_ =	sdelay $0x4  }
0xd5: {  	v2 =	vsub.s32 v2, v61  }
0xd6: {  	v2 =	vcvt.s32.f32 v2;
	_ =	sdelay $0x1  }
0xd7: {  	v2 =	vmul.f32 v2, v63;
	_ =	sdelay $0x1  }
0xd8: {  	v2 =	vmul.f32 $1.638300000e+04, v2;
	_ =	sdelay $0x1  }
0xd9: {  	v2 =	vtrunc.f32 v2  }
0xda: {  	v2 =	vcvt.f32.s32 v2;
	_ =	sdelay $0x1  }
0xdb: {  	[tilespmem:$0x4100] =	vst v2  }
0xdc: {  	v2 =	vld [tilespmem:s4+$0x110];
	_ =	sdelay $0x4  }
0xdd: {  	v2 =	vsub.s32 v2, v61  }
0xde: {  	v2 =	vcvt.s32.f32 v2;
	_ =	sdelay $0x1  }
0xdf: {  	v2 =	vmul.f32 v2, v63;
	_ =	sdelay $0x1  }
0xe0: {  	v2 =	vmul.f32 $1.638300000e+04, v2;
	_ =	sdelay $0x1  }
0xe1: {  	v2 =	vtrunc.f32 v2  }
0xe2: {  	v2 =	vcvt.f32.s32 v2;
	_ =	sdelay $0x1  }
0xe3: {  	[tilespmem:$0x4110] =	vst v2  }
0xe4: {  	v2 =	vld [tilespmem:s4+$0x120];
	_ =	sdelay $0x4  }
0xe5: {  	v2 =	vsub.s32 v2, v61  }
0xe6: {  	v2 =	vcvt.s32.f32 v2;
	_ =	sdelay $0x1  }
0xe7: {  	v2 =	vmul.f32 v2, v63;
	_ =	sdelay $0x1  }
0xe8: {  	v2 =	vmul.f32 $1.638300000e+04, v2;
	_ =	sdelay $0x1  }
0xe9: {  	v2 =	vtrunc.f32 v2  }
0xea: {  	v2 =	vcvt.f32.s32 v2;
	_ =	sdelay $0x1  }
0xeb: {  	[tilespmem:$0x4120] =	vst v2  }
0xec: {  	v2 =	vld [tilespmem:s4+$0x130];
	_ =	sdelay $0x4  }
0xed: {  	v2 =	vsub.s32 v2, v61  }
0xee: {  	v2 =	vcvt.s32.f32 v2;
	_ =	sdelay $0x1  }
0xef: {  	v2 =	vmul.f32 v2, v63;
	_ =	sdelay $0x1  }
0xf0: {  	v2 =	vmul.f32 $1.638300000e+04, v2;
	_ =	sdelay $0x1  }
0xf1: {  	v2 =	vtrunc.f32 v2  }
0xf2: {  	v2 =	vcvt.f32.s32 v2;
	_ =	sdelay $0x1  }
0xf3: {  	[tilespmem:$0x4130] =	vst v2  }
0xf4: {  	v2 =	vld [tilespmem:s4+$0x140];
	_ =	sdelay $0x4  }
0xf5: {  	v2 =	vsub.s32 v2, v61  }
0xf6: {  	v2 =	vcvt.s32.f32 v2;
	_ =	sdelay $0x1  }
0xf7: {  	v2 =	vmul.f32 v2, v63;
	_ =	sdelay $0x1  }
0xf8: {  	v2 =	vmul.f32 $1.638300000e+04, v2;
	_ =	sdelay $0x1  }
0xf9: {  	v2 =	vtrunc.f32 v2  }
0xfa: {  	v2 =	vcvt.f32.s32 v2;
	_ =	sdelay $0x1  }
0xfb: {  	[tilespmem:$0x4140] =	vst v2  }
0xfc: {  	v2 =	vld [tilespmem:s4+$0x150];
	_ =	sdelay $0x4  }
0xfd: {  	v2 =	vsub.s32 v2, v61  }
0xfe: {  	v2 =	vcvt.s32.f32 v2;
	_ =	sdelay $0x1  }
0xff: {  	v2 =	vmul.f32 v2, v63;
	_ =	sdelay $0x1  }
0x100: {  	v2 =	vmul.f32 $1.638300000e+04, v2;
	_ =	sdelay $0x1  }
0x101: {  	v2 =	vtrunc.f32 v2  }
0x102: {  	v2 =	vcvt.f32.s32 v2;
	_ =	sdelay $0x1  }
0x103: {  	[tilespmem:$0x4150] =	vst v2  }
0x104: {  	v2 =	vld [tilespmem:s4+$0x160];
	_ =	sdelay $0x4  }
0x105: {  	v2 =	vsub.s32 v2, v61  }
0x106: {  	v2 =	vcvt.s32.f32 v2;
	_ =	sdelay $0x1  }
0x107: {  	v2 =	vmul.f32 v2, v63;
	_ =	sdelay $0x1  }
0x108: {  	v2 =	vmul.f32 $1.638300000e+04, v2;
	_ =	sdelay $0x1  }
0x109: {  	v2 =	vtrunc.f32 v2  }
0x10a: {  	v2 =	vcvt.f32.s32 v2;
	_ =	sdelay $0x1  }
0x10b: {  	[tilespmem:$0x4160] =	vst v2  }
0x10c: {  	v2 =	vld [tilespmem:s4+$0x170];
	_ =	sdelay $0x4  }
0x10d: {  	v2 =	vsub.s32 v2, v61  }
0x10e: {  	v2 =	vcvt.s32.f32 v2;
	_ =	sdelay $0x1  }
0x10f: {  	v2 =	vmul.f32 v2, v63;
	_ =	sdelay $0x1  }
0x110: {  	v2 =	vmul.f32 $1.638300000e+04, v2;
	_ =	sdelay $0x1  }
0x111: {  	v2 =	vtrunc.f32 v2  }
0x112: {  	v2 =	vcvt.f32.s32 v2;
	_ =	sdelay $0x1  }
0x113: {  	[tilespmem:$0x4170] =	vst v2  }
0x114: {  	v2 =	vld [tilespmem:s4+$0x180];
	_ =	sdelay $0x4  }
0x115: {  	v2 =	vsub.s32 v2, v61  }
0x116: {  	v2 =	vcvt.s32.f32 v2;
	_ =	sdelay $0x1  }
0x117: {  	v2 =	vmul.f32 v2, v63;
	_ =	sdelay $0x1  }
0x118: {  	v2 =	vmul.f32 $1.638300000e+04, v2;
	_ =	sdelay $0x1  }
0x119: {  	v2 =	vtrunc.f32 v2  }
0x11a: {  	v2 =	vcvt.f32.s32 v2;
	_ =	sdelay $0x1  }
0x11b: {  	[tilespmem:$0x4180] =	vst v2  }
0x11c: {  	v2 =	vld [tilespmem:s4+$0x190];
	_ =	sdelay $0x4  }
0x11d: {  	v2 =	vsub.s32 v2, v61  }
0x11e: {  	v2 =	vcvt.s32.f32 v2;
	_ =	sdelay $0x1  }
0x11f: {  	v2 =	vmul.f32 v2, v63;
	_ =	sdelay $0x1  }
0x120: {  	v2 =	vmul.f32 $1.638300000e+04, v2;
	_ =	sdelay $0x1  }
0x121: {  	v2 =	vtrunc.f32 v2  }
0x122: {  	v2 =	vcvt.f32.s32 v2;
	_ =	sdelay $0x1  }
0x123: {  	[tilespmem:$0x4190] =	vst v2  }
0x124: {  	v2 =	vld [tilespmem:s4+$0x1A0];
	_ =	sdelay $0x4  }
0x125: {  	v2 =	vsub.s32 v2, v61  }
0x126: {  	v2 =	vcvt.s32.f32 v2;
	_ =	sdelay $0x1  }
0x127: {  	v2 =	vmul.f32 v2, v63;
	_ =	sdelay $0x1  }
0x128: {  	v2 =	vmul.f32 $1.638300000e+04, v2;
	_ =	sdelay $0x1  }
0x129: {  	v2 =	vtrunc.f32 v2  }
0x12a: {  	v2 =	vcvt.f32.s32 v2;
	_ =	sdelay $0x1  }
0x12b: {  	[tilespmem:$0x41A0] =	vst v2  }
0x12c: {  	v2 =	vld [tilespmem:s4+$0x1B0];
	_ =	sdelay $0x4  }
0x12d: {  	v2 =	vsub.s32 v2, v61  }
0x12e: {  	v2 =	vcvt.s32.f32 v2;
	_ =	sdelay $0x1  }
0x12f: {  	v2 =	vmul.f32 v2, v63;
	_ =	sdelay $0x1  }
0x130: {  	v2 =	vmul.f32 $1.638300000e+04, v2;
	_ =	sdelay $0x1  }
0x131: {  	v2 =	vtrunc.f32 v2  }
0x132: {  	v2 =	vcvt.f32.s32 v2;
	_ =	sdelay $0x1  }
0x133: {  	[tilespmem:$0x41B0] =	vst v2  }
0x134: {  	v2 =	vld [tilespmem:s4+$0x1C0];
	_ =	sdelay $0x4  }
0x135: {  	v2 =	vsub.s32 v2, v61  }
0x136: {  	v2 =	vcvt.s32.f32 v2;
	_ =	sdelay $0x1  }
0x137: {  	v2 =	vmul.f32 v2, v63;
	_ =	sdelay $0x1  }
0x138: {  	v2 =	vmul.f32 $1.638300000e+04, v2;
	_ =	sdelay $0x1  }
0x139: {  	v2 =	vtrunc.f32 v2  }
0x13a: {  	v2 =	vcvt.f32.s32 v2;
	_ =	sdelay $0x1  }
0x13b: {  	[tilespmem:$0x41C0] =	vst v2  }
0x13c: {  	v2 =	vld [tilespmem:s4+$0x1D0];
	_ =	sdelay $0x4  }
0x13d: {  	v2 =	vsub.s32 v2, v61  }
0x13e: {  	v2 =	vcvt.s32.f32 v2;
	_ =	sdelay $0x1  }
0x13f: {  	v2 =	vmul.f32 v2, v63;
	_ =	sdelay $0x1  }
0x140: {  	v2 =	vmul.f32 $1.638300000e+04, v2;
	_ =	sdelay $0x1  }
0x141: {  	v2 =	vtrunc.f32 v2  }
0x142: {  	v2 =	vcvt.f32.s32 v2;
	_ =	sdelay $0x1  }
0x143: {  	[tilespmem:$0x41D0] =	vst v2  }
0x144: {  	v2 =	vld [tilespmem:s4+$0x1E0];
	_ =	sdelay $0x4  }
0x145: {  	v2 =	vsub.s32 v2, v61  }
0x146: {  	v2 =	vcvt.s32.f32 v2;
	_ =	sdelay $0x1  }
0x147: {  	v2 =	vmul.f32 v2, v63;
	_ =	sdelay $0x1  }
0x148: {  	v2 =	vmul.f32 $1.638300000e+04, v2;
	_ =	sdelay $0x1  }
0x149: {  	v2 =	vtrunc.f32 v2  }
0x14a: {  	v2 =	vcvt.f32.s32 v2;
	_ =	sdelay $0x1  }
0x14b: {  	[tilespmem:$0x41E0] =	vst v2  }
0x14c: {  	v2 =	vld [tilespmem:s4+$0x1F0];
	_ =	sdelay $0x4  }
0x14d: {  	v0 =	vsub.s32 v2, v61  }
0x14e: {  	v0 =	vcvt.s32.f32 v0;
	_ =	sdelay $0x1  }
0x14f: {  	v0 =	vmul.f32 v0, v63;
	_ =	sdelay $0x1  }
0x150: {  	v0 =	vmul.f32 $1.638300000e+04, v0;
	_ =	sdelay $0x1  }
0x151: {  	v0 =	vtrunc.f32 v0  }
0x152: {  	v0 =	vcvt.f32.s32 v0;
	_ =	sdelay $0x1  }
0x153: {  	[tilespmem:$0x41F0] =	vst v0  }
0x154: {  	[tilespmem:s11], [sflag:$0x1] =	stream.indirect.gather [hbm4b:s5+s9], $0x20, s10, s9, $0xb8;
	[tilespmem:$0x8200] =	vst v63  }
0x155: {  	_ = 	snop  }
0x156: {  	[tilespmem:s13], [sflag:$0x1] =	stream.indirect.gather [hbm4b:s5+s9], $0x20, s12, s9, $0xb8;
	[tilespmem:$0x8200] =	vst v63  }
0x157: {  	_ = 	snop  }
0x158: {  	[tilespmem:s15], [sflag:$0x1] =	stream.indirect.gather [hbm4b:s5+s9], $0x20, s14, s9, $0xb8;
	[tilespmem:$0x8200] =	vst v63  }
0x159: {  	_ = 	snop  }
0x15a: {  	[tilespmem:s17], [sflag:$0x1] =	stream.indirect.gather [hbm4b:s5+s9], $0x20, s16, s9, $0xb8;
	[tilespmem:$0x8200] =	vst v63  }
0x15b: {  	_ =	swait.ge [sflag:s18], $0x1000  }
0x15c: {  	[sflag:s18] =	ssyncset.done $0x0  }
0x15d: {  	[sflag:s18] =	ssyncadd.s32 $0xFFFFF000  }
0x15e: {  	_ =	swait.ge [sflag:s18], $0x1000  }
0x15f: {  	[sflag:s18] =	ssyncset.done $0x0  }
0x160: {  	[sflag:s18] =	ssyncadd.s32 $0xFFFFF000  }
0x161: {  	_ =	swait.ge [sflag:s18], $0x1000  }
0x162: {  	[sflag:s18] =	ssyncset.done $0x0  }
0x163: {  	[sflag:s18] =	ssyncadd.s32 $0xFFFFF000  }
0x164: {  	s19 =	sadd.s32 $0x1, s19;
	_ =	swait.ge [sflag:s18], $0x1000  }
0x165: {  	p0 =	sne.s32 s19, s7;
	[sflag:s18] =	ssyncset.done $0x0  }
.Ltmp1:
0x166: {  	[sflag:s18] =	ssyncadd.s32 $0xFFFFF000;
	(pc) =	sbr.rel @p0 .LBB2_1-.Ltmp1, $4  }
0x167: {  	[hbm4b:s6+s3] =	stream.linear.scatter [tilespmem:s11], [sflag:$0x2], $0x4000, $0x38;
	[tilespmem:$0x8200] =	vst v63  }
0x168: {  	_ =	swait.ge [sflag:s8], $0x4000  }
0x169: {  	[sflag:s8] =	ssyncset.done $0x0  }
0x16a: {  	[sflag:s8] =	ssyncadd.s32 $0xFFFFC000  }
0x16b: {  	_ =	sfence.sel $0x180000  }
0x16c: {  	[bflag:$0x0] =	sbarrier.arrive $0xFFFF  }
0x16d: {  	p0 =	sne.s32 s2, $0x0;
	_ =	strace $0x90000047  }
0x16e: {  	s0 =	sadd.s32 @!p0 $0x100000, s0;
	[bflag:$0x2] =	sbarrier.arrive $0xFFFF  }
0x16f: {  	[sflag:s0] =	ssyncadd.tile.s32 @!p0 $0x1;
	_ =	shalt  }
.Lfunc_end2:
_tile_overlayer_lowered:
.L_overlay_start_2:
0x170: {  	(tag) =	ssettag $0x2  }
0x171: {  	s0 =	rddreg [dreg:$0x0];
	s2 =	stileid.u32  }
0x172: {  	s1 =	rddreg [dreg:$0x1];
	p0 =	sne.s32 s2, $0x0  }
0x173: {  	s3 =	rddreg [dreg:$0x2];
	[bflag:$0x3] =	sbarrier.arrive $0xFFFF;
	s2 =	simm.s32 @!p0 $0x1C02  }
0x174: {  	[timem:s3], [sflag:s2] =	dma.local @!p0 [hbm:s0], s1  }
0x175: {  	s0 =	simm.s32 @!p0 $0x2  }
0x176: {  	_ =	swait.ge @!p0 [sflag:s0], s1  }
0x177: {  	s1 =	ssub.s32 @!p0 $0x0, s1;
	[sflag:s0] =	ssyncset.done @!p0 $0x0  }
0x178: {  	[sflag:s0] =	ssyncadd.s32 @!p0 s1  }
0x179: {  	[bflag:$0x3] =	sbarrier.arrive $0xFFFF  }
0x17a: {  	_ =	shalt  }

</sc_bundles>
